<compile_context>
chip_gen: v7x
topology: tpu7x:2x2x1
jax: 0.10.2.dev20260603
libtpu: 0.0.44.dev20260713+nightly
codegen_flags: <defaults>
</compile_context>

<pallas_src>
import functools

import jax
import jax.numpy as jnp
from jax import lax
from jax.experimental import pallas as pl
from jax.experimental.pallas import tpu as pltpu
from jax.experimental.pallas import tpu_sc as plsc

_NUM_BINS = 100000
_EMBED_DIM = 128
_BATCH = 16384

_NC = 2
_NS = 16
_L = 16
_NW = _NC * _NS
_B_PER_W = _BATCH // _NW
_CHUNKS = ((0, 128), (128, 128), (256, 128), (384, 128))
_N_CHUNKS = len(_CHUNKS)


def _hash_chunk(u1, u2):
    x = u1 * jnp.uint32(2654435761) + u2 * jnp.uint32(40503)
    x = x ^ (x >> jnp.uint32(16))
    x = x * jnp.uint32(2246822519)
    x = x ^ (x >> jnp.uint32(13))
    x = x * jnp.uint32(3266489917)
    x = x ^ (x >> jnp.uint32(16))
    return x % jnp.uint32(_NUM_BINS)


@functools.partial(
    pl.kernel,
    out_type=jax.ShapeDtypeStruct((_BATCH, _EMBED_DIM), jnp.float32),
    mesh=plsc.VectorSubcoreMesh(core_axis_name="c", subcore_axis_name="s"),
    scratch_types=[
        pltpu.VMEM((_B_PER_W,), jnp.int32),
        pltpu.VMEM((_B_PER_W,), jnp.int32),
        pltpu.VMEM((_B_PER_W,), jnp.int32),
        pltpu.VMEM((_B_PER_W, _EMBED_DIM), jnp.float32),
        pltpu.SemaphoreType.DMA,
        pltpu.SemaphoreType.DMA((_N_CHUNKS,)),
        pltpu.SemaphoreType.DMA,
    ],
)
def _sc_cross_lookup(f1_hbm, f2_hbm, table_hbm, out_hbm,
                     f1_v, f2_v, idx_v, rows_v, fsem, gsem, ssem):
    wid = lax.axis_index("s") * _NC + lax.axis_index("c")
    base = wid * _B_PER_W

    cf1 = pltpu.async_copy(f1_hbm.at[pl.ds(base, _B_PER_W)], f1_v, fsem)
    cf2 = pltpu.async_copy(f2_hbm.at[pl.ds(base, _B_PER_W)], f2_v, fsem)
    cf1.wait()
    cf2.wait()

    def _hash_step(i, _):
        sl = pl.ds(i * _L, _L)
        u1 = lax.bitcast_convert_type(f1_v[sl], jnp.uint32)
        u2 = lax.bitcast_convert_type(f2_v[sl], jnp.uint32)
        idx_v[sl] = lax.bitcast_convert_type(_hash_chunk(u1, u2), jnp.int32)
        return _

    gathers = []
    for j, (off, sz) in enumerate(_CHUNKS):
        lax.fori_loop(off // _L, (off + sz) // _L, _hash_step, 0, unroll=2)
        gathers.append(
            pltpu.async_copy(
                table_hbm.at[idx_v.at[pl.ds(off, sz)]],
                rows_v.at[pl.ds(off, sz)],
                gsem.at[j],
            )
        )

    stores = []
    for j, (off, sz) in enumerate(_CHUNKS):
        gathers[j].wait()
        stores.append(
            pltpu.async_copy(
                rows_v.at[pl.ds(off, sz)],
                out_hbm.at[pl.ds(base + off, sz)],
                ssem,
            )
        )
    for s in stores:
        s.wait()


def kernel(feature1, feature2, cross_embedding):
    return _sc_cross_lookup(feature1, feature2, cross_embedding)

# --- scband reference (transcript-rebuilt; emitter-appended) ---
"""Pipeline reference for scband-feature-crossing-layer-75840532513186 (READ-ONLY COPY).

The authoritative reference and input builder live on the scoring server;
editing this copy changes nothing except your own understanding.
"""

import jax, jax.numpy as jnp
import numpy as np

NUM_BINS = 100000
EMBED_DIM = 128
BATCH = 16384


def _hash_pair(f1, f2, num_bins):
    # Deterministic integer stand-in for tf.strings.join + tf.keras.layers.Hashing
    # (FarmHash on the joined string 'f1_x_f2'). We mix the two categorical ids
    # with multiplicative hashing + xor-shift avalanche, then mod num_bins.
    x = f1.astype(jnp.uint32) * jnp.uint32(2654435761) + f2.astype(jnp.uint32) * jnp.uint32(40503)
    x = x ^ (x >> 16)
    x = x * jnp.uint32(2246822519)
    x = x ^ (x >> 13)
    x = x * jnp.uint32(3266489917)
    x = x ^ (x >> 16)
    return (x % jnp.uint32(num_bins)).astype(jnp.int32)


def setup_inputs(seed: int = 0) -> dict:
    key = jax.random.key(seed)
    k1, k2, k3 = jax.random.split(key, 3)
    feature1 = jax.random.randint(k1, (BATCH,), 0, 1000000, dtype=jnp.int32)
    feature2 = jax.random.randint(k2, (BATCH,), 0, 1000000, dtype=jnp.int32)
    # Embedding table: (num_bins + 1, embedding_dim), matching
    # tf.keras.layers.Embedding(num_bins + 1, embedding_dim)
    cross_embedding = jax.random.normal(k3, (NUM_BINS + 1, EMBED_DIM), dtype=jnp.float32) * 0.05
    return {"feature1": feature1, "feature2": feature2, "cross_embedding": cross_embedding}


def reference(feature1, feature2, cross_embedding):
    hashed = _hash_pair(feature1, feature2, NUM_BINS)  # values in [0, NUM_BINS)
    out = jnp.take(cross_embedding, hashed, axis=0)    # [BATCH, EMBED_DIM]
    return out

if __name__ == "__main__":
    import jax
    _d = setup_inputs()
    print(jax.jit(kernel)(*tuple(_d.values())))

</pallas_src>

<mosaic_0001>
#map = affine_map<(d0, d1) -> (0)>
#map1 = affine_map<(d0, d1) -> (0, 0)>
module attributes {stable_mosaic.version = 14 : i64} {
  func.func @_sc_cross_lookup(%arg0: i32, %arg1: i32, %arg2: memref<16384xi32, #tpu.memory_space<hbm>>, %arg3: memref<16384xi32, #tpu.memory_space<hbm>>, %arg4: memref<100001x128xf32, #tpu.memory_space<hbm>>, %arg5: memref<16384x128xf32, #tpu.memory_space<hbm>>, %arg6: memref<512xi32, #tpu.memory_space<vmem>>, %arg7: memref<512xi32, #tpu.memory_space<vmem>>, %arg8: memref<512xi32, #tpu.memory_space<vmem>>, %arg9: memref<512x128xf32, #tpu.memory_space<vmem>>, %arg10: memref<!tpu.dma_semaphore, #tpu.memory_space<semaphore_mem>>, %arg11: memref<4x!tpu.dma_semaphore, #tpu.memory_space<semaphore_mem>>, %arg12: memref<!tpu.dma_semaphore, #tpu.memory_space<semaphore_mem>>) attributes {dimension_semantics = [#tpu.dimension_semantics<core_parallel>, #tpu.dimension_semantics<subcore_parallel>], iteration_bounds = array<i64: 2, 16>, scalar_prefetch = 0 : i64, scratch_operands = 7 : i64, tpu.core_type = #tpu.core_type<sc_vector_subcore>, window_params = [{transform_indices = #map}, {transform_indices = #map}, {transform_indices = #map1}, {transform_indices = #map1}]} {
    %mul3A = arith.constant 2 : i32
    %mul3A_0 = arith.muli %arg1, %mul3A : i32
    %add3A = arith.addi %mul3A_0, %arg0 : i32
    %mul3A_1 = arith.constant 512 : i32
    %mul3A_2 = arith.muli %add3A, %mul3A_1 : i32
    %dma_start3A = tpu.memref_slice %arg2[%mul3A_2] : memref<16384xi32, #tpu.memory_space<hbm>> -> memref<512xi32, #tpu.memory_space<hbm>>
    %dma_start3A_3 = tpu.memref_slice %arg2[%mul3A_2] : memref<16384xi32, #tpu.memory_space<hbm>> -> memref<512xi32, #tpu.memory_space<hbm>>
    tpu.enqueue_dma source(%dma_start3A_3 : memref<512xi32, #tpu.memory_space<hbm>>) target(%arg6 : memref<512xi32, #tpu.memory_space<vmem>>) target_semaphore(%arg10 : memref<!tpu.dma_semaphore, #tpu.memory_space<semaphore_mem>>)
    %dma_start3A_4 = tpu.memref_slice %arg3[%mul3A_2] : memref<16384xi32, #tpu.memory_space<hbm>> -> memref<512xi32, #tpu.memory_space<hbm>>
    %dma_start3A_5 = tpu.memref_slice %arg3[%mul3A_2] : memref<16384xi32, #tpu.memory_space<hbm>> -> memref<512xi32, #tpu.memory_space<hbm>>
    tpu.enqueue_dma source(%dma_start3A_5 : memref<512xi32, #tpu.memory_space<hbm>>) target(%arg7 : memref<512xi32, #tpu.memory_space<vmem>>) target_semaphore(%arg10 : memref<!tpu.dma_semaphore, #tpu.memory_space<semaphore_mem>>)
    %dma_wait3A = tpu.memref_slice %arg2[%mul3A_2] : memref<16384xi32, #tpu.memory_space<hbm>> -> memref<512xi32, #tpu.memory_space<hbm>>
    %dma_wait3A_6 = tpu.memref_slice %arg2[%mul3A_2] : memref<16384xi32, #tpu.memory_space<hbm>> -> memref<512xi32, #tpu.memory_space<hbm>>
    tpu.wait_dma2 semaphore(%arg10 : memref<!tpu.dma_semaphore, #tpu.memory_space<semaphore_mem>>) src(%dma_wait3A_6 : memref<512xi32, #tpu.memory_space<hbm>>) dst(%arg6 : memref<512xi32, #tpu.memory_space<vmem>>)
    %dma_wait3A_7 = tpu.memref_slice %arg3[%mul3A_2] : memref<16384xi32, #tpu.memory_space<hbm>> -> memref<512xi32, #tpu.memory_space<hbm>>
    %dma_wait3A_8 = tpu.memref_slice %arg3[%mul3A_2] : memref<16384xi32, #tpu.memory_space<hbm>> -> memref<512xi32, #tpu.memory_space<hbm>>
    tpu.wait_dma2 semaphore(%arg10 : memref<!tpu.dma_semaphore, #tpu.memory_space<semaphore_mem>>) src(%dma_wait3A_8 : memref<512xi32, #tpu.memory_space<hbm>>) dst(%arg7 : memref<512xi32, #tpu.memory_space<vmem>>)
    %scan3A = arith.constant 0 : i32
    %scan3A_9 = arith.constant 0 : i32
    %scan3A_10 = arith.constant 8 : i32
    %scan3A_11 = arith.addi %scan3A_9, %scan3A_10 : i32
    %scan3A_12 = arith.constant 2 : i32
    scf.for %scan3A_208 = %scan3A_9 to %scan3A_11 step %scan3A_12  : i32 {
      %mul3A_209 = arith.constant 16 : i32
      %mul3A_210 = arith.muli %scan3A_208, %mul3A_209 : i32
      %get3A = arith.index_cast %mul3A_210 : i32 to index
      %get3A_211 = tpu.vector_load %arg6[%get3A] {strides = array<i32>} : memref<512xi32, #tpu.memory_space<vmem>>, vector<16xi32>,
      %get3A_212 = vector.shape_cast %get3A_211 : vector<16xi32> to vector<16xi32>
      %bitcast_convert_type3A = tpu.bitcast %get3A_212 : vector<16xi32> -> vector<16xi32>
      %get3A_213 = arith.index_cast %mul3A_210 : i32 to index
      %get3A_214 = tpu.vector_load %arg7[%get3A_213] {strides = array<i32>} : memref<512xi32, #tpu.memory_space<vmem>>, vector<16xi32>,
      %get3A_215 = vector.shape_cast %get3A_214 : vector<16xi32> to vector<16xi32>
      %bitcast_convert_type3A_216 = tpu.bitcast %get3A_215 : vector<16xi32> -> vector<16xi32>
      %mul3A_217 = arith.constant -1640531535 : i32
      %mul3A_218 = vector.broadcast %mul3A_217 : i32 to vector<16xi32>
      %mul3A_219 = arith.muli %bitcast_convert_type3A, %mul3A_218 : vector<16xi32>
      %mul3A_220 = arith.constant 40503 : i32
      %mul3A_221 = vector.broadcast %mul3A_220 : i32 to vector<16xi32>
      %mul3A_222 = arith.muli %bitcast_convert_type3A_216, %mul3A_221 : vector<16xi32>
      %add3A_223 = arith.addi %mul3A_219, %mul3A_222 : vector<16xi32>
      %shift_right_logical3A = arith.constant 16 : i32
      %shift_right_logical3A_224 = vector.broadcast %shift_right_logical3A : i32 to vector<16xi32>
      %shift_right_logical3A_225 = arith.shrui %add3A_223, %shift_right_logical3A_224 : vector<16xi32>
      %xor3A = arith.xori %add3A_223, %shift_right_logical3A_225 : vector<16xi32>
      %mul3A_226 = arith.constant -2048144777 : i32
      %mul3A_227 = vector.broadcast %mul3A_226 : i32 to vector<16xi32>
      %mul3A_228 = arith.muli %xor3A, %mul3A_227 : vector<16xi32>
      %shift_right_logical3A_229 = arith.constant 13 : i32
      %shift_right_logical3A_230 = vector.broadcast %shift_right_logical3A_229 : i32 to vector<16xi32>
      %shift_right_logical3A_231 = arith.shrui %mul3A_228, %shift_right_logical3A_230 : vector<16xi32>
      %xor3A_232 = arith.xori %mul3A_228, %shift_right_logical3A_231 : vector<16xi32>
      %mul3A_233 = arith.constant -1028477379 : i32
      %mul3A_234 = vector.broadcast %mul3A_233 : i32 to vector<16xi32>
      %mul3A_235 = arith.muli %xor3A_232, %mul3A_234 : vector<16xi32>
      %shift_right_logical3A_236 = arith.constant 16 : i32
      %shift_right_logical3A_237 = vector.broadcast %shift_right_logical3A_236 : i32 to vector<16xi32>
      %shift_right_logical3A_238 = arith.shrui %mul3A_235, %shift_right_logical3A_237 : vector<16xi32>
      %xor3A_239 = arith.xori %mul3A_235, %shift_right_logical3A_238 : vector<16xi32>
      %jit3A = arith.constant 100000 : i32
      %eq3A = arith.constant 0 : i32
      %eq3A_240 = arith.cmpi eq, %jit3A, %eq3A : i32
      %jit3A_241 = arith.constant 1 : i32
      %select_n3A = arith.select %eq3A_240, %jit3A_241, %jit3A : i32
      %rem3A = vector.broadcast %select_n3A : i32 to vector<16xi32>
      %rem3A_242 = arith.remui %xor3A_239, %rem3A : vector<16xi32>
      %ne3A = arith.constant 0 : i32
      %ne3A_243 = vector.broadcast %ne3A : i32 to vector<16xi32>
      %ne3A_244 = arith.cmpi ne, %rem3A_242, %ne3A_243 : vector<16xi32>
      %lt3A = arith.constant 0 : i32
      %lt3A_245 = vector.broadcast %lt3A : i32 to vector<16xi32>
      %lt3A_246 = arith.cmpi ult, %rem3A_242, %lt3A_245 : vector<16xi32>
      %lt3A_247 = arith.constant 0 : i32
      %lt3A_248 = arith.cmpi ult, %select_n3A, %lt3A_247 : i32
      %ne3A_249 = vector.broadcast %lt3A_248 : i1 to vector<16xi1>
      %ne3A_250 = vector.broadcast %ne3A_249 : vector<16xi1> to vector<16xi1>
      %ne3A_251 = arith.xori %lt3A_246, %ne3A_250 : vector<16xi1>
      %and3A = arith.andi %ne3A_251, %ne3A_244 : vector<16xi1>
      %add3A_252 = vector.broadcast %select_n3A : i32 to vector<16xi32>
      %add3A_253 = arith.addi %rem3A_242, %add3A_252 : vector<16xi32>
      %select_n3A_254 = arith.select %and3A, %add3A_253, %rem3A_242 : vector<16xi1>, vector<16xi32>
      %bitcast_convert_type3A_255 = tpu.bitcast %select_n3A_254 : vector<16xi32> -> vector<16xi32>
      %swap3A = arith.index_cast %mul3A_210 : i32 to index
      %swap3A_256 = tpu.vector_load %arg8[%swap3A] {strides = array<i32>} : memref<512xi32, #tpu.memory_space<vmem>>, vector<16xi32>,
      %swap3A_257 = vector.shape_cast %swap3A_256 : vector<16xi32> to vector<16xi32>
      %swap3A_258 = vector.shape_cast %bitcast_convert_type3A_255 : vector<16xi32> to vector<16xi32>
      tpu.vector_store %arg8[%swap3A], %swap3A_258 {strides = array<i32>} : memref<512xi32, #tpu.memory_space<vmem>>, vector<16xi32>,
      %scan3A_259 = arith.constant 1 : i32
      %scan3A_260 = arith.addi %scan3A_208, %scan3A_259 : i32
      %mul3A_261 = arith.constant 16 : i32
      %mul3A_262 = arith.muli %scan3A_260, %mul3A_261 : i32
      %get3A_263 = arith.index_cast %mul3A_262 : i32 to index
      %get3A_264 = tpu.vector_load %arg6[%get3A_263] {strides = array<i32>} : memref<512xi32, #tpu.memory_space<vmem>>, vector<16xi32>,
      %get3A_265 = vector.shape_cast %get3A_264 : vector<16xi32> to vector<16xi32>
      %bitcast_convert_type3A_266 = tpu.bitcast %get3A_265 : vector<16xi32> -> vector<16xi32>
      %get3A_267 = arith.index_cast %mul3A_262 : i32 to index
      %get3A_268 = tpu.vector_load %arg7[%get3A_267] {strides = array<i32>} : memref<512xi32, #tpu.memory_space<vmem>>, vector<16xi32>,
      %get3A_269 = vector.shape_cast %get3A_268 : vector<16xi32> to vector<16xi32>
      %bitcast_convert_type3A_270 = tpu.bitcast %get3A_269 : vector<16xi32> -> vector<16xi32>
      %mul3A_271 = arith.constant -1640531535 : i32
      %mul3A_272 = vector.broadcast %mul3A_271 : i32 to vector<16xi32>
      %mul3A_273 = arith.muli %bitcast_convert_type3A_266, %mul3A_272 : vector<16xi32>
      %mul3A_274 = arith.constant 40503 : i32
      %mul3A_275 = vector.broadcast %mul3A_274 : i32 to vector<16xi32>
      %mul3A_276 = arith.muli %bitcast_convert_type3A_270, %mul3A_275 : vector<16xi32>
      %add3A_277 = arith.addi %mul3A_273, %mul3A_276 : vector<16xi32>
      %shift_right_logical3A_278 = arith.constant 16 : i32
      %shift_right_logical3A_279 = vector.broadcast %shift_right_logical3A_278 : i32 to vector<16xi32>
      %shift_right_logical3A_280 = arith.shrui %add3A_277, %shift_right_logical3A_279 : vector<16xi32>
      %xor3A_281 = arith.xori %add3A_277, %shift_right_logical3A_280 : vector<16xi32>
      %mul3A_282 = arith.constant -2048144777 : i32
      %mul3A_283 = vector.broadcast %mul3A_282 : i32 to vector<16xi32>
      %mul3A_284 = arith.muli %xor3A_281, %mul3A_283 : vector<16xi32>
      %shift_right_logical3A_285 = arith.constant 13 : i32
      %shift_right_logical3A_286 = vector.broadcast %shift_right_logical3A_285 : i32 to vector<16xi32>
      %shift_right_logical3A_287 = arith.shrui %mul3A_284, %shift_right_logical3A_286 : vector<16xi32>
      %xor3A_288 = arith.xori %mul3A_284, %shift_right_logical3A_287 : vector<16xi32>
      %mul3A_289 = arith.constant -1028477379 : i32
      %mul3A_290 = vector.broadcast %mul3A_289 : i32 to vector<16xi32>
      %mul3A_291 = arith.muli %xor3A_288, %mul3A_290 : vector<16xi32>
      %shift_right_logical3A_292 = arith.constant 16 : i32
      %shift_right_logical3A_293 = vector.broadcast %shift_right_logical3A_292 : i32 to vector<16xi32>
      %shift_right_logical3A_294 = arith.shrui %mul3A_291, %shift_right_logical3A_293 : vector<16xi32>
      %xor3A_295 = arith.xori %mul3A_291, %shift_right_logical3A_294 : vector<16xi32>
      %jit3A_296 = arith.constant 100000 : i32
      %eq3A_297 = arith.constant 0 : i32
      %eq3A_298 = arith.cmpi eq, %jit3A_296, %eq3A_297 : i32
      %jit3A_299 = arith.constant 1 : i32
      %select_n3A_300 = arith.select %eq3A_298, %jit3A_299, %jit3A_296 : i32
      %rem3A_301 = vector.broadcast %select_n3A_300 : i32 to vector<16xi32>
      %rem3A_302 = arith.remui %xor3A_295, %rem3A_301 : vector<16xi32>
      %ne3A_303 = arith.constant 0 : i32
      %ne3A_304 = vector.broadcast %ne3A_303 : i32 to vector<16xi32>
      %ne3A_305 = arith.cmpi ne, %rem3A_302, %ne3A_304 : vector<16xi32>
      %lt3A_306 = arith.constant 0 : i32
      %lt3A_307 = vector.broadcast %lt3A_306 : i32 to vector<16xi32>
      %lt3A_308 = arith.cmpi ult, %rem3A_302, %lt3A_307 : vector<16xi32>
      %lt3A_309 = arith.constant 0 : i32
      %lt3A_310 = arith.cmpi ult, %select_n3A_300, %lt3A_309 : i32
      %ne3A_311 = vector.broadcast %lt3A_310 : i1 to vector<16xi1>
      %ne3A_312 = vector.broadcast %ne3A_311 : vector<16xi1> to vector<16xi1>
      %ne3A_313 = arith.xori %lt3A_308, %ne3A_312 : vector<16xi1>
      %and3A_314 = arith.andi %ne3A_313, %ne3A_305 : vector<16xi1>
      %add3A_315 = vector.broadcast %select_n3A_300 : i32 to vector<16xi32>
      %add3A_316 = arith.addi %rem3A_302, %add3A_315 : vector<16xi32>
      %select_n3A_317 = arith.select %and3A_314, %add3A_316, %rem3A_302 : vector<16xi1>, vector<16xi32>
      %bitcast_convert_type3A_318 = tpu.bitcast %select_n3A_317 : vector<16xi32> -> vector<16xi32>
      %swap3A_319 = arith.index_cast %mul3A_262 : i32 to index
      %swap3A_320 = tpu.vector_load %arg8[%swap3A_319] {strides = array<i32>} : memref<512xi32, #tpu.memory_space<vmem>>, vector<16xi32>,
      %swap3A_321 = vector.shape_cast %swap3A_320 : vector<16xi32> to vector<16xi32>
      %swap3A_322 = vector.shape_cast %bitcast_convert_type3A_318 : vector<16xi32> to vector<16xi32>
      tpu.vector_store %arg8[%swap3A_319], %swap3A_322 {strides = array<i32>} : memref<512xi32, #tpu.memory_space<vmem>>, vector<16xi32>,
    }
    %scan3A_13 = arith.constant 8 : i32
    %dma_start3A_14 = arith.constant 0 : i32
    %dma_start3A_15 = arith.constant 0 : i32
    %dma_start3A_16 = arith.constant 0 : i32
    %dma_start3A_17 = tpu.memref_slice %arg9[%dma_start3A_15, %dma_start3A_16] : memref<512x128xf32, #tpu.memory_space<vmem>> -> memref<128x128xf32, #tpu.memory_space<vmem>>
    %dma_start3A_18 = arith.constant 0 : i32
    %dma_start3A_19 = tpu.memref_slice %arg8[%dma_start3A_18] : memref<512xi32, #tpu.memory_space<vmem>> -> memref<128xi32, #tpu.memory_space<vmem>>
    %dma_start3A_20 = arith.constant 0 : i32
    %dma_start3A_21 = arith.constant 0 : i32
    %dma_start3A_22 = tpu.memref_slice %arg4[%dma_start3A_20, %dma_start3A_21] : memref<100001x128xf32, #tpu.memory_space<hbm>> -> memref<100001x128xf32, #tpu.memory_space<hbm>>
    %dma_start3A_23 = tpu.memref_slice %arg11[%dma_start3A_14] : memref<4x!tpu.dma_semaphore, #tpu.memory_space<semaphore_mem>> -> memref<1x!tpu.dma_semaphore, #tpu.memory_space<semaphore_mem>>
    %dma_start3A_24 = tpu.memref_squeeze %dma_start3A_23 : memref<1x!tpu.dma_semaphore, #tpu.memory_space<semaphore_mem>> -> memref<!tpu.dma_semaphore, #tpu.memory_space<semaphore_mem>>
    tpu.enqueue_indirect_dma source(%dma_start3A_22 : memref<100001x128xf32, #tpu.memory_space<hbm>>) target(%dma_start3A_17 : memref<128x128xf32, #tpu.memory_space<vmem>>) offsets(%dma_start3A_19 : memref<128xi32, #tpu.memory_space<vmem>>) semaphore(%dma_start3A_24 : memref<!tpu.dma_semaphore, #tpu.memory_space<semaphore_mem>>)
    %scan3A_25 = arith.constant 0 : i32
    %scan3A_26 = arith.constant 8 : i32
    %scan3A_27 = arith.constant 8 : i32
    %scan3A_28 = arith.addi %scan3A_26, %scan3A_27 : i32
    %scan3A_29 = arith.constant 2 : i32
    scf.for %scan3A_208 = %scan3A_26 to %scan3A_28 step %scan3A_29  : i32 {
      %mul3A_209 = arith.constant 16 : i32
      %mul3A_210 = arith.muli %scan3A_208, %mul3A_209 : i32
      %get3A = arith.index_cast %mul3A_210 : i32 to index
      %get3A_211 = tpu.vector_load %arg6[%get3A] {strides = array<i32>} : memref<512xi32, #tpu.memory_space<vmem>>, vector<16xi32>,
      %get3A_212 = vector.shape_cast %get3A_211 : vector<16xi32> to vector<16xi32>
      %bitcast_convert_type3A = tpu.bitcast %get3A_212 : vector<16xi32> -> vector<16xi32>
      %get3A_213 = arith.index_cast %mul3A_210 : i32 to index
      %get3A_214 = tpu.vector_load %arg7[%get3A_213] {strides = array<i32>} : memref<512xi32, #tpu.memory_space<vmem>>, vector<16xi32>,
      %get3A_215 = vector.shape_cast %get3A_214 : vector<16xi32> to vector<16xi32>
      %bitcast_convert_type3A_216 = tpu.bitcast %get3A_215 : vector<16xi32> -> vector<16xi32>
      %mul3A_217 = arith.constant -1640531535 : i32
      %mul3A_218 = vector.broadcast %mul3A_217 : i32 to vector<16xi32>
      %mul3A_219 = arith.muli %bitcast_convert_type3A, %mul3A_218 : vector<16xi32>
      %mul3A_220 = arith.constant 40503 : i32
      %mul3A_221 = vector.broadcast %mul3A_220 : i32 to vector<16xi32>
      %mul3A_222 = arith.muli %bitcast_convert_type3A_216, %mul3A_221 : vector<16xi32>
      %add3A_223 = arith.addi %mul3A_219, %mul3A_222 : vector<16xi32>
      %shift_right_logical3A = arith.constant 16 : i32
      %shift_right_logical3A_224 = vector.broadcast %shift_right_logical3A : i32 to vector<16xi32>
      %shift_right_logical3A_225 = arith.shrui %add3A_223, %shift_right_logical3A_224 : vector<16xi32>
      %xor3A = arith.xori %add3A_223, %shift_right_logical3A_225 : vector<16xi32>
      %mul3A_226 = arith.constant -2048144777 : i32
      %mul3A_227 = vector.broadcast %mul3A_226 : i32 to vector<16xi32>
      %mul3A_228 = arith.muli %xor3A, %mul3A_227 : vector<16xi32>
      %shift_right_logical3A_229 = arith.constant 13 : i32
      %shift_right_logical3A_230 = vector.broadcast %shift_right_logical3A_229 : i32 to vector<16xi32>
      %shift_right_logical3A_231 = arith.shrui %mul3A_228, %shift_right_logical3A_230 : vector<16xi32>
      %xor3A_232 = arith.xori %mul3A_228, %shift_right_logical3A_231 : vector<16xi32>
      %mul3A_233 = arith.constant -1028477379 : i32
      %mul3A_234 = vector.broadcast %mul3A_233 : i32 to vector<16xi32>
      %mul3A_235 = arith.muli %xor3A_232, %mul3A_234 : vector<16xi32>
      %shift_right_logical3A_236 = arith.constant 16 : i32
      %shift_right_logical3A_237 = vector.broadcast %shift_right_logical3A_236 : i32 to vector<16xi32>
      %shift_right_logical3A_238 = arith.shrui %mul3A_235, %shift_right_logical3A_237 : vector<16xi32>
      %xor3A_239 = arith.xori %mul3A_235, %shift_right_logical3A_238 : vector<16xi32>
      %jit3A = arith.constant 100000 : i32
      %eq3A = arith.constant 0 : i32
      %eq3A_240 = arith.cmpi eq, %jit3A, %eq3A : i32
      %jit3A_241 = arith.constant 1 : i32
      %select_n3A = arith.select %eq3A_240, %jit3A_241, %jit3A : i32
      %rem3A = vector.broadcast %select_n3A : i32 to vector<16xi32>
      %rem3A_242 = arith.remui %xor3A_239, %rem3A : vector<16xi32>
      %ne3A = arith.constant 0 : i32
      %ne3A_243 = vector.broadcast %ne3A : i32 to vector<16xi32>
      %ne3A_244 = arith.cmpi ne, %rem3A_242, %ne3A_243 : vector<16xi32>
      %lt3A = arith.constant 0 : i32
      %lt3A_245 = vector.broadcast %lt3A : i32 to vector<16xi32>
      %lt3A_246 = arith.cmpi ult, %rem3A_242, %lt3A_245 : vector<16xi32>
      %lt3A_247 = arith.constant 0 : i32
      %lt3A_248 = arith.cmpi ult, %select_n3A, %lt3A_247 : i32
      %ne3A_249 = vector.broadcast %lt3A_248 : i1 to vector<16xi1>
      %ne3A_250 = vector.broadcast %ne3A_249 : vector<16xi1> to vector<16xi1>
      %ne3A_251 = arith.xori %lt3A_246, %ne3A_250 : vector<16xi1>
      %and3A = arith.andi %ne3A_251, %ne3A_244 : vector<16xi1>
      %add3A_252 = vector.broadcast %select_n3A : i32 to vector<16xi32>
      %add3A_253 = arith.addi %rem3A_242, %add3A_252 : vector<16xi32>
      %select_n3A_254 = arith.select %and3A, %add3A_253, %rem3A_242 : vector<16xi1>, vector<16xi32>
      %bitcast_convert_type3A_255 = tpu.bitcast %select_n3A_254 : vector<16xi32> -> vector<16xi32>
      %swap3A = arith.index_cast %mul3A_210 : i32 to index
      %swap3A_256 = tpu.vector_load %arg8[%swap3A] {strides = array<i32>} : memref<512xi32, #tpu.memory_space<vmem>>, vector<16xi32>,
      %swap3A_257 = vector.shape_cast %swap3A_256 : vector<16xi32> to vector<16xi32>
      %swap3A_258 = vector.shape_cast %bitcast_convert_type3A_255 : vector<16xi32> to vector<16xi32>
      tpu.vector_store %arg8[%swap3A], %swap3A_258 {strides = array<i32>} : memref<512xi32, #tpu.memory_space<vmem>>, vector<16xi32>,
      %scan3A_259 = arith.constant 1 : i32
      %scan3A_260 = arith.addi %scan3A_208, %scan3A_259 : i32
      %mul3A_261 = arith.constant 16 : i32
      %mul3A_262 = arith.muli %scan3A_260, %mul3A_261 : i32
      %get3A_263 = arith.index_cast %mul3A_262 : i32 to index
      %get3A_264 = tpu.vector_load %arg6[%get3A_263] {strides = array<i32>} : memref<512xi32, #tpu.memory_space<vmem>>, vector<16xi32>,
      %get3A_265 = vector.shape_cast %get3A_264 : vector<16xi32> to vector<16xi32>
      %bitcast_convert_type3A_266 = tpu.bitcast %get3A_265 : vector<16xi32> -> vector<16xi32>
      %get3A_267 = arith.index_cast %mul3A_262 : i32 to index
      %get3A_268 = tpu.vector_load %arg7[%get3A_267] {strides = array<i32>} : memref<512xi32, #tpu.memory_space<vmem>>, vector<16xi32>,
      %get3A_269 = vector.shape_cast %get3A_268 : vector<16xi32> to vector<16xi32>
      %bitcast_convert_type3A_270 = tpu.bitcast %get3A_269 : vector<16xi32> -> vector<16xi32>
      %mul3A_271 = arith.constant -1640531535 : i32
      %mul3A_272 = vector.broadcast %mul3A_271 : i32 to vector<16xi32>
      %mul3A_273 = arith.muli %bitcast_convert_type3A_266, %mul3A_272 : vector<16xi32>
      %mul3A_274 = arith.constant 40503 : i32
      %mul3A_275 = vector.broadcast %mul3A_274 : i32 to vector<16xi32>
      %mul3A_276 = arith.muli %bitcast_convert_type3A_270, %mul3A_275 : vector<16xi32>
      %add3A_277 = arith.addi %mul3A_273, %mul3A_276 : vector<16xi32>
      %shift_right_logical3A_278 = arith.constant 16 : i32
      %shift_right_logical3A_279 = vector.broadcast %shift_right_logical3A_278 : i32 to vector<16xi32>
      %shift_right_logical3A_280 = arith.shrui %add3A_277, %shift_right_logical3A_279 : vector<16xi32>
      %xor3A_281 = arith.xori %add3A_277, %shift_right_logical3A_280 : vector<16xi32>
      %mul3A_282 = arith.constant -2048144777 : i32
      %mul3A_283 = vector.broadcast %mul3A_282 : i32 to vector<16xi32>
      %mul3A_284 = arith.muli %xor3A_281, %mul3A_283 : vector<16xi32>
      %shift_right_logical3A_285 = arith.constant 13 : i32
      %shift_right_logical3A_286 = vector.broadcast %shift_right_logical3A_285 : i32 to vector<16xi32>
      %shift_right_logical3A_287 = arith.shrui %mul3A_284, %shift_right_logical3A_286 : vector<16xi32>
      %xor3A_288 = arith.xori %mul3A_284, %shift_right_logical3A_287 : vector<16xi32>
      %mul3A_289 = arith.constant -1028477379 : i32
      %mul3A_290 = vector.broadcast %mul3A_289 : i32 to vector<16xi32>
      %mul3A_291 = arith.muli %xor3A_288, %mul3A_290 : vector<16xi32>
      %shift_right_logical3A_292 = arith.constant 16 : i32
      %shift_right_logical3A_293 = vector.broadcast %shift_right_logical3A_292 : i32 to vector<16xi32>
      %shift_right_logical3A_294 = arith.shrui %mul3A_291, %shift_right_logical3A_293 : vector<16xi32>
      %xor3A_295 = arith.xori %mul3A_291, %shift_right_logical3A_294 : vector<16xi32>
      %jit3A_296 = arith.constant 100000 : i32
      %eq3A_297 = arith.constant 0 : i32
      %eq3A_298 = arith.cmpi eq, %jit3A_296, %eq3A_297 : i32
      %jit3A_299 = arith.constant 1 : i32
      %select_n3A_300 = arith.select %eq3A_298, %jit3A_299, %jit3A_296 : i32
      %rem3A_301 = vector.broadcast %select_n3A_300 : i32 to vector<16xi32>
      %rem3A_302 = arith.remui %xor3A_295, %rem3A_301 : vector<16xi32>
      %ne3A_303 = arith.constant 0 : i32
      %ne3A_304 = vector.broadcast %ne3A_303 : i32 to vector<16xi32>
      %ne3A_305 = arith.cmpi ne, %rem3A_302, %ne3A_304 : vector<16xi32>
      %lt3A_306 = arith.constant 0 : i32
      %lt3A_307 = vector.broadcast %lt3A_306 : i32 to vector<16xi32>
      %lt3A_308 = arith.cmpi ult, %rem3A_302, %lt3A_307 : vector<16xi32>
      %lt3A_309 = arith.constant 0 : i32
      %lt3A_310 = arith.cmpi ult, %select_n3A_300, %lt3A_309 : i32
      %ne3A_311 = vector.broadcast %lt3A_310 : i1 to vector<16xi1>
      %ne3A_312 = vector.broadcast %ne3A_311 : vector<16xi1> to vector<16xi1>
      %ne3A_313 = arith.xori %lt3A_308, %ne3A_312 : vector<16xi1>
      %and3A_314 = arith.andi %ne3A_313, %ne3A_305 : vector<16xi1>
      %add3A_315 = vector.broadcast %select_n3A_300 : i32 to vector<16xi32>
      %add3A_316 = arith.addi %rem3A_302, %add3A_315 : vector<16xi32>
      %select_n3A_317 = arith.select %and3A_314, %add3A_316, %rem3A_302 : vector<16xi1>, vector<16xi32>
      %bitcast_convert_type3A_318 = tpu.bitcast %select_n3A_317 : vector<16xi32> -> vector<16xi32>
      %swap3A_319 = arith.index_cast %mul3A_262 : i32 to index
      %swap3A_320 = tpu.vector_load %arg8[%swap3A_319] {strides = array<i32>} : memref<512xi32, #tpu.memory_space<vmem>>, vector<16xi32>,
      %swap3A_321 = vector.shape_cast %swap3A_320 : vector<16xi32> to vector<16xi32>
      %swap3A_322 = vector.shape_cast %bitcast_convert_type3A_318 : vector<16xi32> to vector<16xi32>
      tpu.vector_store %arg8[%swap3A_319], %swap3A_322 {strides = array<i32>} : memref<512xi32, #tpu.memory_space<vmem>>, vector<16xi32>,
    }
    %scan3A_30 = arith.constant 8 : i32
    %dma_start3A_31 = arith.constant 1 : i32
    %dma_start3A_32 = arith.constant 128 : i32
    %dma_start3A_33 = arith.constant 0 : i32
    %dma_start3A_34 = tpu.memref_slice %arg9[%dma_start3A_32, %dma_start3A_33] : memref<512x128xf32, #tpu.memory_space<vmem>> -> memref<128x128xf32, #tpu.memory_space<vmem>>
    %dma_start3A_35 = arith.constant 128 : i32
    %dma_start3A_36 = tpu.memref_slice %arg8[%dma_start3A_35] : memref<512xi32, #tpu.memory_space<vmem>> -> memref<128xi32, #tpu.memory_space<vmem>>
    %dma_start3A_37 = arith.constant 0 : i32
    %dma_start3A_38 = arith.constant 0 : i32
    %dma_start3A_39 = tpu.memref_slice %arg4[%dma_start3A_37, %dma_start3A_38] : memref<100001x128xf32, #tpu.memory_space<hbm>> -> memref<100001x128xf32, #tpu.memory_space<hbm>>
    %dma_start3A_40 = tpu.memref_slice %arg11[%dma_start3A_31] : memref<4x!tpu.dma_semaphore, #tpu.memory_space<semaphore_mem>> -> memref<1x!tpu.dma_semaphore, #tpu.memory_space<semaphore_mem>>
    %dma_start3A_41 = tpu.memref_squeeze %dma_start3A_40 : memref<1x!tpu.dma_semaphore, #tpu.memory_space<semaphore_mem>> -> memref<!tpu.dma_semaphore, #tpu.memory_space<semaphore_mem>>
    tpu.enqueue_indirect_dma source(%dma_start3A_39 : memref<100001x128xf32, #tpu.memory_space<hbm>>) target(%dma_start3A_34 : memref<128x128xf32, #tpu.memory_space<vmem>>) offsets(%dma_start3A_36 : memref<128xi32, #tpu.memory_space<vmem>>) semaphore(%dma_start3A_41 : memref<!tpu.dma_semaphore, #tpu.memory_space<semaphore_mem>>)
    %scan3A_42 = arith.constant 0 : i32
    %scan3A_43 = arith.constant 16 : i32
    %scan3A_44 = arith.constant 8 : i32
    %scan3A_45 = arith.addi %scan3A_43, %scan3A_44 : i32
    %scan3A_46 = arith.constant 2 : i32
    scf.for %scan3A_208 = %scan3A_43 to %scan3A_45 step %scan3A_46  : i32 {
      %mul3A_209 = arith.constant 16 : i32
      %mul3A_210 = arith.muli %scan3A_208, %mul3A_209 : i32
      %get3A = arith.index_cast %mul3A_210 : i32 to index
      %get3A_211 = tpu.vector_load %arg6[%get3A] {strides = array<i32>} : memref<512xi32, #tpu.memory_space<vmem>>, vector<16xi32>,
      %get3A_212 = vector.shape_cast %get3A_211 : vector<16xi32> to vector<16xi32>
      %bitcast_convert_type3A = tpu.bitcast %get3A_212 : vector<16xi32> -> vector<16xi32>
      %get3A_213 = arith.index_cast %mul3A_210 : i32 to index
      %get3A_214 = tpu.vector_load %arg7[%get3A_213] {strides = array<i32>} : memref<512xi32, #tpu.memory_space<vmem>>, vector<16xi32>,
      %get3A_215 = vector.shape_cast %get3A_214 : vector<16xi32> to vector<16xi32>
      %bitcast_convert_type3A_216 = tpu.bitcast %get3A_215 : vector<16xi32> -> vector<16xi32>
      %mul3A_217 = arith.constant -1640531535 : i32
      %mul3A_218 = vector.broadcast %mul3A_217 : i32 to vector<16xi32>
      %mul3A_219 = arith.muli %bitcast_convert_type3A, %mul3A_218 : vector<16xi32>
      %mul3A_220 = arith.constant 40503 : i32
      %mul3A_221 = vector.broadcast %mul3A_220 : i32 to vector<16xi32>
      %mul3A_222 = arith.muli %bitcast_convert_type3A_216, %mul3A_221 : vector<16xi32>
      %add3A_223 = arith.addi %mul3A_219, %mul3A_222 : vector<16xi32>
      %shift_right_logical3A = arith.constant 16 : i32
      %shift_right_logical3A_224 = vector.broadcast %shift_right_logical3A : i32 to vector<16xi32>
      %shift_right_logical3A_225 = arith.shrui %add3A_223, %shift_right_logical3A_224 : vector<16xi32>
      %xor3A = arith.xori %add3A_223, %shift_right_logical3A_225 : vector<16xi32>
      %mul3A_226 = arith.constant -2048144777 : i32
      %mul3A_227 = vector.broadcast %mul3A_226 : i32 to vector<16xi32>
      %mul3A_228 = arith.muli %xor3A, %mul3A_227 : vector<16xi32>
      %shift_right_logical3A_229 = arith.constant 13 : i32
      %shift_right_logical3A_230 = vector.broadcast %shift_right_logical3A_229 : i32 to vector<16xi32>
      %shift_right_logical3A_231 = arith.shrui %mul3A_228, %shift_right_logical3A_230 : vector<16xi32>
      %xor3A_232 = arith.xori %mul3A_228, %shift_right_logical3A_231 : vector<16xi32>
      %mul3A_233 = arith.constant -1028477379 : i32
      %mul3A_234 = vector.broadcast %mul3A_233 : i32 to vector<16xi32>
      %mul3A_235 = arith.muli %xor3A_232, %mul3A_234 : vector<16xi32>
      %shift_right_logical3A_236 = arith.constant 16 : i32
      %shift_right_logical3A_237 = vector.broadcast %shift_right_logical3A_236 : i32 to vector<16xi32>
      %shift_right_logical3A_238 = arith.shrui %mul3A_235, %shift_right_logical3A_237 : vector<16xi32>
      %xor3A_239 = arith.xori %mul3A_235, %shift_right_logical3A_238 : vector<16xi32>
      %jit3A = arith.constant 100000 : i32
      %eq3A = arith.constant 0 : i32
      %eq3A_240 = arith.cmpi eq, %jit3A, %eq3A : i32
      %jit3A_241 = arith.constant 1 : i32
      %select_n3A = arith.select %eq3A_240, %jit3A_241, %jit3A : i32
      %rem3A = vector.broadcast %select_n3A : i32 to vector<16xi32>
      %rem3A_242 = arith.remui %xor3A_239, %rem3A : vector<16xi32>
      %ne3A = arith.constant 0 : i32
      %ne3A_243 = vector.broadcast %ne3A : i32 to vector<16xi32>
      %ne3A_244 = arith.cmpi ne, %rem3A_242, %ne3A_243 : vector<16xi32>
      %lt3A = arith.constant 0 : i32
      %lt3A_245 = vector.broadcast %lt3A : i32 to vector<16xi32>
      %lt3A_246 = arith.cmpi ult, %rem3A_242, %lt3A_245 : vector<16xi32>
      %lt3A_247 = arith.constant 0 : i32
      %lt3A_248 = arith.cmpi ult, %select_n3A, %lt3A_247 : i32
      %ne3A_249 = vector.broadcast %lt3A_248 : i1 to vector<16xi1>
      %ne3A_250 = vector.broadcast %ne3A_249 : vector<16xi1> to vector<16xi1>
      %ne3A_251 = arith.xori %lt3A_246, %ne3A_250 : vector<16xi1>
      %and3A = arith.andi %ne3A_251, %ne3A_244 : vector<16xi1>
      %add3A_252 = vector.broadcast %select_n3A : i32 to vector<16xi32>
      %add3A_253 = arith.addi %rem3A_242, %add3A_252 : vector<16xi32>
      %select_n3A_254 = arith.select %and3A, %add3A_253, %rem3A_242 : vector<16xi1>, vector<16xi32>
      %bitcast_convert_type3A_255 = tpu.bitcast %select_n3A_254 : vector<16xi32> -> vector<16xi32>
      %swap3A = arith.index_cast %mul3A_210 : i32 to index
      %swap3A_256 = tpu.vector_load %arg8[%swap3A] {strides = array<i32>} : memref<512xi32, #tpu.memory_space<vmem>>, vector<16xi32>,
      %swap3A_257 = vector.shape_cast %swap3A_256 : vector<16xi32> to vector<16xi32>
      %swap3A_258 = vector.shape_cast %bitcast_convert_type3A_255 : vector<16xi32> to vector<16xi32>
      tpu.vector_store %arg8[%swap3A], %swap3A_258 {strides = array<i32>} : memref<512xi32, #tpu.memory_space<vmem>>, vector<16xi32>,
      %scan3A_259 = arith.constant 1 : i32
      %scan3A_260 = arith.addi %scan3A_208, %scan3A_259 : i32
      %mul3A_261 = arith.constant 16 : i32
      %mul3A_262 = arith.muli %scan3A_260, %mul3A_261 : i32
      %get3A_263 = arith.index_cast %mul3A_262 : i32 to index
      %get3A_264 = tpu.vector_load %arg6[%get3A_263] {strides = array<i32>} : memref<512xi32, #tpu.memory_space<vmem>>, vector<16xi32>,
      %get3A_265 = vector.shape_cast %get3A_264 : vector<16xi32> to vector<16xi32>
      %bitcast_convert_type3A_266 = tpu.bitcast %get3A_265 : vector<16xi32> -> vector<16xi32>
      %get3A_267 = arith.index_cast %mul3A_262 : i32 to index
      %get3A_268 = tpu.vector_load %arg7[%get3A_267] {strides = array<i32>} : memref<512xi32, #tpu.memory_space<vmem>>, vector<16xi32>,
      %get3A_269 = vector.shape_cast %get3A_268 : vector<16xi32> to vector<16xi32>
      %bitcast_convert_type3A_270 = tpu.bitcast %get3A_269 : vector<16xi32> -> vector<16xi32>
      %mul3A_271 = arith.constant -1640531535 : i32
      %mul3A_272 = vector.broadcast %mul3A_271 : i32 to vector<16xi32>
      %mul3A_273 = arith.muli %bitcast_convert_type3A_266, %mul3A_272 : vector<16xi32>
      %mul3A_274 = arith.constant 40503 : i32
      %mul3A_275 = vector.broadcast %mul3A_274 : i32 to vector<16xi32>
      %mul3A_276 = arith.muli %bitcast_convert_type3A_270, %mul3A_275 : vector<16xi32>
      %add3A_277 = arith.addi %mul3A_273, %mul3A_276 : vector<16xi32>
      %shift_right_logical3A_278 = arith.constant 16 : i32
      %shift_right_logical3A_279 = vector.broadcast %shift_right_logical3A_278 : i32 to vector<16xi32>
      %shift_right_logical3A_280 = arith.shrui %add3A_277, %shift_right_logical3A_279 : vector<16xi32>
      %xor3A_281 = arith.xori %add3A_277, %shift_right_logical3A_280 : vector<16xi32>
      %mul3A_282 = arith.constant -2048144777 : i32
      %mul3A_283 = vector.broadcast %mul3A_282 : i32 to vector<16xi32>
      %mul3A_284 = arith.muli %xor3A_281, %mul3A_283 : vector<16xi32>
      %shift_right_logical3A_285 = arith.constant 13 : i32
      %shift_right_logical3A_286 = vector.broadcast %shift_right_logical3A_285 : i32 to vector<16xi32>
      %shift_right_logical3A_287 = arith.shrui %mul3A_284, %shift_right_logical3A_286 : vector<16xi32>
      %xor3A_288 = arith.xori %mul3A_284, %shift_right_logical3A_287 : vector<16xi32>
      %mul3A_289 = arith.constant -1028477379 : i32
      %mul3A_290 = vector.broadcast %mul3A_289 : i32 to vector<16xi32>
      %mul3A_291 = arith.muli %xor3A_288, %mul3A_290 : vector<16xi32>
      %shift_right_logical3A_292 = arith.constant 16 : i32
      %shift_right_logical3A_293 = vector.broadcast %shift_right_logical3A_292 : i32 to vector<16xi32>
      %shift_right_logical3A_294 = arith.shrui %mul3A_291, %shift_right_logical3A_293 : vector<16xi32>
      %xor3A_295 = arith.xori %mul3A_291, %shift_right_logical3A_294 : vector<16xi32>
      %jit3A_296 = arith.constant 100000 : i32
      %eq3A_297 = arith.constant 0 : i32
      %eq3A_298 = arith.cmpi eq, %jit3A_296, %eq3A_297 : i32
      %jit3A_299 = arith.constant 1 : i32
      %select_n3A_300 = arith.select %eq3A_298, %jit3A_299, %jit3A_296 : i32
      %rem3A_301 = vector.broadcast %select_n3A_300 : i32 to vector<16xi32>
      %rem3A_302 = arith.remui %xor3A_295, %rem3A_301 : vector<16xi32>
      %ne3A_303 = arith.constant 0 : i32
      %ne3A_304 = vector.broadcast %ne3A_303 : i32 to vector<16xi32>
      %ne3A_305 = arith.cmpi ne, %rem3A_302, %ne3A_304 : vector<16xi32>
      %lt3A_306 = arith.constant 0 : i32
      %lt3A_307 = vector.broadcast %lt3A_306 : i32 to vector<16xi32>
      %lt3A_308 = arith.cmpi ult, %rem3A_302, %lt3A_307 : vector<16xi32>
      %lt3A_309 = arith.constant 0 : i32
      %lt3A_310 = arith.cmpi ult, %select_n3A_300, %lt3A_309 : i32
      %ne3A_311 = vector.broadcast %lt3A_310 : i1 to vector<16xi1>
      %ne3A_312 = vector.broadcast %ne3A_311 : vector<16xi1> to vector<16xi1>
      %ne3A_313 = arith.xori %lt3A_308, %ne3A_312 : vector<16xi1>
      %and3A_314 = arith.andi %ne3A_313, %ne3A_305 : vector<16xi1>
      %add3A_315 = vector.broadcast %select_n3A_300 : i32 to vector<16xi32>
      %add3A_316 = arith.addi %rem3A_302, %add3A_315 : vector<16xi32>
      %select_n3A_317 = arith.select %and3A_314, %add3A_316, %rem3A_302 : vector<16xi1>, vector<16xi32>
      %bitcast_convert_type3A_318 = tpu.bitcast %select_n3A_317 : vector<16xi32> -> vector<16xi32>
      %swap3A_319 = arith.index_cast %mul3A_262 : i32 to index
      %swap3A_320 = tpu.vector_load %arg8[%swap3A_319] {strides = array<i32>} : memref<512xi32, #tpu.memory_space<vmem>>, vector<16xi32>,
      %swap3A_321 = vector.shape_cast %swap3A_320 : vector<16xi32> to vector<16xi32>
      %swap3A_322 = vector.shape_cast %bitcast_convert_type3A_318 : vector<16xi32> to vector<16xi32>
      tpu.vector_store %arg8[%swap3A_319], %swap3A_322 {strides = array<i32>} : memref<512xi32, #tpu.memory_space<vmem>>, vector<16xi32>,
    }
    %scan3A_47 = arith.constant 8 : i32
    %dma_start3A_48 = arith.constant 2 : i32
    %dma_start3A_49 = arith.constant 256 : i32
    %dma_start3A_50 = arith.constant 0 : i32
    %dma_start3A_51 = tpu.memref_slice %arg9[%dma_start3A_49, %dma_start3A_50] : memref<512x128xf32, #tpu.memory_space<vmem>> -> memref<128x128xf32, #tpu.memory_space<vmem>>
    %dma_start3A_52 = arith.constant 256 : i32
    %dma_start3A_53 = tpu.memref_slice %arg8[%dma_start3A_52] : memref<512xi32, #tpu.memory_space<vmem>> -> memref<128xi32, #tpu.memory_space<vmem>>
    %dma_start3A_54 = arith.constant 0 : i32
    %dma_start3A_55 = arith.constant 0 : i32
    %dma_start3A_56 = tpu.memref_slice %arg4[%dma_start3A_54, %dma_start3A_55] : memref<100001x128xf32, #tpu.memory_space<hbm>> -> memref<100001x128xf32, #tpu.memory_space<hbm>>
    %dma_start3A_57 = tpu.memref_slice %arg11[%dma_start3A_48] : memref<4x!tpu.dma_semaphore, #tpu.memory_space<semaphore_mem>> -> memref<1x!tpu.dma_semaphore, #tpu.memory_space<semaphore_mem>>
    %dma_start3A_58 = tpu.memref_squeeze %dma_start3A_57 : memref<1x!tpu.dma_semaphore, #tpu.memory_space<semaphore_mem>> -> memref<!tpu.dma_semaphore, #tpu.memory_space<semaphore_mem>>
    tpu.enqueue_indirect_dma source(%dma_start3A_56 : memref<100001x128xf32, #tpu.memory_space<hbm>>) target(%dma_start3A_51 : memref<128x128xf32, #tpu.memory_space<vmem>>) offsets(%dma_start3A_53 : memref<128xi32, #tpu.memory_space<vmem>>) semaphore(%dma_start3A_58 : memref<!tpu.dma_semaphore, #tpu.memory_space<semaphore_mem>>)
    %scan3A_59 = arith.constant 0 : i32
    %scan3A_60 = arith.constant 24 : i32
    %scan3A_61 = arith.constant 8 : i32
    %scan3A_62 = arith.addi %scan3A_60, %scan3A_61 : i32
    %scan3A_63 = arith.constant 2 : i32
    scf.for %scan3A_208 = %scan3A_60 to %scan3A_62 step %scan3A_63  : i32 {
      %mul3A_209 = arith.constant 16 : i32
      %mul3A_210 = arith.muli %scan3A_208, %mul3A_209 : i32
      %get3A = arith.index_cast %mul3A_210 : i32 to index
      %get3A_211 = tpu.vector_load %arg6[%get3A] {strides = array<i32>} : memref<512xi32, #tpu.memory_space<vmem>>, vector<16xi32>,
      %get3A_212 = vector.shape_cast %get3A_211 : vector<16xi32> to vector<16xi32>
      %bitcast_convert_type3A = tpu.bitcast %get3A_212 : vector<16xi32> -> vector<16xi32>
      %get3A_213 = arith.index_cast %mul3A_210 : i32 to index
      %get3A_214 = tpu.vector_load %arg7[%get3A_213] {strides = array<i32>} : memref<512xi32, #tpu.memory_space<vmem>>, vector<16xi32>,
      %get3A_215 = vector.shape_cast %get3A_214 : vector<16xi32> to vector<16xi32>
      %bitcast_convert_type3A_216 = tpu.bitcast %get3A_215 : vector<16xi32> -> vector<16xi32>
      %mul3A_217 = arith.constant -1640531535 : i32
      %mul3A_218 = vector.broadcast %mul3A_217 : i32 to vector<16xi32>
      %mul3A_219 = arith.muli %bitcast_convert_type3A, %mul3A_218 : vector<16xi32>
      %mul3A_220 = arith.constant 40503 : i32
      %mul3A_221 = vector.broadcast %mul3A_220 : i32 to vector<16xi32>
      %mul3A_222 = arith.muli %bitcast_convert_type3A_216, %mul3A_221 : vector<16xi32>
      %add3A_223 = arith.addi %mul3A_219, %mul3A_222 : vector<16xi32>
      %shift_right_logical3A = arith.constant 16 : i32
      %shift_right_logical3A_224 = vector.broadcast %shift_right_logical3A : i32 to vector<16xi32>
      %shift_right_logical3A_225 = arith.shrui %add3A_223, %shift_right_logical3A_224 : vector<16xi32>
      %xor3A = arith.xori %add3A_223, %shift_right_logical3A_225 : vector<16xi32>
      %mul3A_226 = arith.constant -2048144777 : i32
      %mul3A_227 = vector.broadcast %mul3A_226 : i32 to vector<16xi32>
      %mul3A_228 = arith.muli %xor3A, %mul3A_227 : vector<16xi32>
      %shift_right_logical3A_229 = arith.constant 13 : i32
      %shift_right_logical3A_230 = vector.broadcast %shift_right_logical3A_229 : i32 to vector<16xi32>
      %shift_right_logical3A_231 = arith.shrui %mul3A_228, %shift_right_logical3A_230 : vector<16xi32>
      %xor3A_232 = arith.xori %mul3A_228, %shift_right_logical3A_231 : vector<16xi32>
      %mul3A_233 = arith.constant -1028477379 : i32
      %mul3A_234 = vector.broadcast %mul3A_233 : i32 to vector<16xi32>
      %mul3A_235 = arith.muli %xor3A_232, %mul3A_234 : vector<16xi32>
      %shift_right_logical3A_236 = arith.constant 16 : i32
      %shift_right_logical3A_237 = vector.broadcast %shift_right_logical3A_236 : i32 to vector<16xi32>
      %shift_right_logical3A_238 = arith.shrui %mul3A_235, %shift_right_logical3A_237 : vector<16xi32>
      %xor3A_239 = arith.xori %mul3A_235, %shift_right_logical3A_238 : vector<16xi32>
      %jit3A = arith.constant 100000 : i32
      %eq3A = arith.constant 0 : i32
      %eq3A_240 = arith.cmpi eq, %jit3A, %eq3A : i32
      %jit3A_241 = arith.constant 1 : i32
      %select_n3A = arith.select %eq3A_240, %jit3A_241, %jit3A : i32
      %rem3A = vector.broadcast %select_n3A : i32 to vector<16xi32>
      %rem3A_242 = arith.remui %xor3A_239, %rem3A : vector<16xi32>
      %ne3A = arith.constant 0 : i32
      %ne3A_243 = vector.broadcast %ne3A : i32 to vector<16xi32>
      %ne3A_244 = arith.cmpi ne, %rem3A_242, %ne3A_243 : vector<16xi32>
      %lt3A = arith.constant 0 : i32
      %lt3A_245 = vector.broadcast %lt3A : i32 to vector<16xi32>
      %lt3A_246 = arith.cmpi ult, %rem3A_242, %lt3A_245 : vector<16xi32>
      %lt3A_247 = arith.constant 0 : i32
      %lt3A_248 = arith.cmpi ult, %select_n3A, %lt3A_247 : i32
      %ne3A_249 = vector.broadcast %lt3A_248 : i1 to vector<16xi1>
      %ne3A_250 = vector.broadcast %ne3A_249 : vector<16xi1> to vector<16xi1>
      %ne3A_251 = arith.xori %lt3A_246, %ne3A_250 : vector<16xi1>
      %and3A = arith.andi %ne3A_251, %ne3A_244 : vector<16xi1>
      %add3A_252 = vector.broadcast %select_n3A : i32 to vector<16xi32>
      %add3A_253 = arith.addi %rem3A_242, %add3A_252 : vector<16xi32>
      %select_n3A_254 = arith.select %and3A, %add3A_253, %rem3A_242 : vector<16xi1>, vector<16xi32>
      %bitcast_convert_type3A_255 = tpu.bitcast %select_n3A_254 : vector<16xi32> -> vector<16xi32>
      %swap3A = arith.index_cast %mul3A_210 : i32 to index
      %swap3A_256 = tpu.vector_load %arg8[%swap3A] {strides = array<i32>} : memref<512xi32, #tpu.memory_space<vmem>>, vector<16xi32>,
      %swap3A_257 = vector.shape_cast %swap3A_256 : vector<16xi32> to vector<16xi32>
      %swap3A_258 = vector.shape_cast %bitcast_convert_type3A_255 : vector<16xi32> to vector<16xi32>
      tpu.vector_store %arg8[%swap3A], %swap3A_258 {strides = array<i32>} : memref<512xi32, #tpu.memory_space<vmem>>, vector<16xi32>,
      %scan3A_259 = arith.constant 1 : i32
      %scan3A_260 = arith.addi %scan3A_208, %scan3A_259 : i32
      %mul3A_261 = arith.constant 16 : i32
      %mul3A_262 = arith.muli %scan3A_260, %mul3A_261 : i32
      %get3A_263 = arith.index_cast %mul3A_262 : i32 to index
      %get3A_264 = tpu.vector_load %arg6[%get3A_263] {strides = array<i32>} : memref<512xi32, #tpu.memory_space<vmem>>, vector<16xi32>,
      %get3A_265 = vector.shape_cast %get3A_264 : vector<16xi32> to vector<16xi32>
      %bitcast_convert_type3A_266 = tpu.bitcast %get3A_265 : vector<16xi32> -> vector<16xi32>
      %get3A_267 = arith.index_cast %mul3A_262 : i32 to index
      %get3A_268 = tpu.vector_load %arg7[%get3A_267] {strides = array<i32>} : memref<512xi32, #tpu.memory_space<vmem>>, vector<16xi32>,
      %get3A_269 = vector.shape_cast %get3A_268 : vector<16xi32> to vector<16xi32>
      %bitcast_convert_type3A_270 = tpu.bitcast %get3A_269 : vector<16xi32> -> vector<16xi32>
      %mul3A_271 = arith.constant -1640531535 : i32
      %mul3A_272 = vector.broadcast %mul3A_271 : i32 to vector<16xi32>
      %mul3A_273 = arith.muli %bitcast_convert_type3A_266, %mul3A_272 : vector<16xi32>
      %mul3A_274 = arith.constant 40503 : i32
      %mul3A_275 = vector.broadcast %mul3A_274 : i32 to vector<16xi32>
      %mul3A_276 = arith.muli %bitcast_convert_type3A_270, %mul3A_275 : vector<16xi32>
      %add3A_277 = arith.addi %mul3A_273, %mul3A_276 : vector<16xi32>
      %shift_right_logical3A_278 = arith.constant 16 : i32
      %shift_right_logical3A_279 = vector.broadcast %shift_right_logical3A_278 : i32 to vector<16xi32>
      %shift_right_logical3A_280 = arith.shrui %add3A_277, %shift_right_logical3A_279 : vector<16xi32>
      %xor3A_281 = arith.xori %add3A_277, %shift_right_logical3A_280 : vector<16xi32>
      %mul3A_282 = arith.constant -2048144777 : i32
      %mul3A_283 = vector.broadcast %mul3A_282 : i32 to vector<16xi32>
      %mul3A_284 = arith.muli %xor3A_281, %mul3A_283 : vector<16xi32>
      %shift_right_logical3A_285 = arith.constant 13 : i32
      %shift_right_logical3A_286 = vector.broadcast %shift_right_logical3A_285 : i32 to vector<16xi32>
      %shift_right_logical3A_287 = arith.shrui %mul3A_284, %shift_right_logical3A_286 : vector<16xi32>
      %xor3A_288 = arith.xori %mul3A_284, %shift_right_logical3A_287 : vector<16xi32>
      %mul3A_289 = arith.constant -1028477379 : i32
      %mul3A_290 = vector.broadcast %mul3A_289 : i32 to vector<16xi32>
      %mul3A_291 = arith.muli %xor3A_288, %mul3A_290 : vector<16xi32>
      %shift_right_logical3A_292 = arith.constant 16 : i32
      %shift_right_logical3A_293 = vector.broadcast %shift_right_logical3A_292 : i32 to vector<16xi32>
      %shift_right_logical3A_294 = arith.shrui %mul3A_291, %shift_right_logical3A_293 : vector<16xi32>
      %xor3A_295 = arith.xori %mul3A_291, %shift_right_logical3A_294 : vector<16xi32>
      %jit3A_296 = arith.constant 100000 : i32
      %eq3A_297 = arith.constant 0 : i32
      %eq3A_298 = arith.cmpi eq, %jit3A_296, %eq3A_297 : i32
      %jit3A_299 = arith.constant 1 : i32
      %select_n3A_300 = arith.select %eq3A_298, %jit3A_299, %jit3A_296 : i32
      %rem3A_301 = vector.broadcast %select_n3A_300 : i32 to vector<16xi32>
      %rem3A_302 = arith.remui %xor3A_295, %rem3A_301 : vector<16xi32>
      %ne3A_303 = arith.constant 0 : i32
      %ne3A_304 = vector.broadcast %ne3A_303 : i32 to vector<16xi32>
      %ne3A_305 = arith.cmpi ne, %rem3A_302, %ne3A_304 : vector<16xi32>
      %lt3A_306 = arith.constant 0 : i32
      %lt3A_307 = vector.broadcast %lt3A_306 : i32 to vector<16xi32>
      %lt3A_308 = arith.cmpi ult, %rem3A_302, %lt3A_307 : vector<16xi32>
      %lt3A_309 = arith.constant 0 : i32
      %lt3A_310 = arith.cmpi ult, %select_n3A_300, %lt3A_309 : i32
      %ne3A_311 = vector.broadcast %lt3A_310 : i1 to vector<16xi1>
      %ne3A_312 = vector.broadcast %ne3A_311 : vector<16xi1> to vector<16xi1>
      %ne3A_313 = arith.xori %lt3A_308, %ne3A_312 : vector<16xi1>
      %and3A_314 = arith.andi %ne3A_313, %ne3A_305 : vector<16xi1>
      %add3A_315 = vector.broadcast %select_n3A_300 : i32 to vector<16xi32>
      %add3A_316 = arith.addi %rem3A_302, %add3A_315 : vector<16xi32>
      %select_n3A_317 = arith.select %and3A_314, %add3A_316, %rem3A_302 : vector<16xi1>, vector<16xi32>
      %bitcast_convert_type3A_318 = tpu.bitcast %select_n3A_317 : vector<16xi32> -> vector<16xi32>
      %swap3A_319 = arith.index_cast %mul3A_262 : i32 to index
      %swap3A_320 = tpu.vector_load %arg8[%swap3A_319] {strides = array<i32>} : memref<512xi32, #tpu.memory_space<vmem>>, vector<16xi32>,
      %swap3A_321 = vector.shape_cast %swap3A_320 : vector<16xi32> to vector<16xi32>
      %swap3A_322 = vector.shape_cast %bitcast_convert_type3A_318 : vector<16xi32> to vector<16xi32>
      tpu.vector_store %arg8[%swap3A_319], %swap3A_322 {strides = array<i32>} : memref<512xi32, #tpu.memory_space<vmem>>, vector<16xi32>,
    }
    %scan3A_64 = arith.constant 8 : i32
    %dma_start3A_65 = arith.constant 3 : i32
    %dma_start3A_66 = arith.constant 384 : i32
    %dma_start3A_67 = arith.constant 0 : i32
    %dma_start3A_68 = tpu.memref_slice %arg9[%dma_start3A_66, %dma_start3A_67] : memref<512x128xf32, #tpu.memory_space<vmem>> -> memref<128x128xf32, #tpu.memory_space<vmem>>
    %dma_start3A_69 = arith.constant 384 : i32
    %dma_start3A_70 = tpu.memref_slice %arg8[%dma_start3A_69] : memref<512xi32, #tpu.memory_space<vmem>> -> memref<128xi32, #tpu.memory_space<vmem>>
    %dma_start3A_71 = arith.constant 0 : i32
    %dma_start3A_72 = arith.constant 0 : i32
    %dma_start3A_73 = tpu.memref_slice %arg4[%dma_start3A_71, %dma_start3A_72] : memref<100001x128xf32, #tpu.memory_space<hbm>> -> memref<100001x128xf32, #tpu.memory_space<hbm>>
    %dma_start3A_74 = tpu.memref_slice %arg11[%dma_start3A_65] : memref<4x!tpu.dma_semaphore, #tpu.memory_space<semaphore_mem>> -> memref<1x!tpu.dma_semaphore, #tpu.memory_space<semaphore_mem>>
    %dma_start3A_75 = tpu.memref_squeeze %dma_start3A_74 : memref<1x!tpu.dma_semaphore, #tpu.memory_space<semaphore_mem>> -> memref<!tpu.dma_semaphore, #tpu.memory_space<semaphore_mem>>
    tpu.enqueue_indirect_dma source(%dma_start3A_73 : memref<100001x128xf32, #tpu.memory_space<hbm>>) target(%dma_start3A_68 : memref<128x128xf32, #tpu.memory_space<vmem>>) offsets(%dma_start3A_70 : memref<128xi32, #tpu.memory_space<vmem>>) semaphore(%dma_start3A_75 : memref<!tpu.dma_semaphore, #tpu.memory_space<semaphore_mem>>)
    %dma_wait3A_76 = arith.constant 0 : i32
    %dma_wait3A_77 = arith.constant 0 : i32
    %dma_wait3A_78 = arith.constant 0 : i32
    %dma_wait3A_79 = tpu.memref_slice %arg9[%dma_wait3A_77, %dma_wait3A_78] : memref<512x128xf32, #tpu.memory_space<vmem>> -> memref<128x128xf32, #tpu.memory_space<vmem>>
    %dma_wait3A_80 = arith.constant 0 : i32
    %dma_wait3A_81 = tpu.memref_slice %arg8[%dma_wait3A_80] : memref<512xi32, #tpu.memory_space<vmem>> -> memref<128xi32, #tpu.memory_space<vmem>>
    %dma_wait3A_82 = arith.constant 0 : i32
    %dma_wait3A_83 = arith.constant 0 : i32
    %dma_wait3A_84 = tpu.memref_slice %arg4[%dma_wait3A_82, %dma_wait3A_83] : memref<100001x128xf32, #tpu.memory_space<hbm>> -> memref<100001x128xf32, #tpu.memory_space<hbm>>
    %dma_wait3A_85 = tpu.memref_slice %arg11[%dma_wait3A_76] : memref<4x!tpu.dma_semaphore, #tpu.memory_space<semaphore_mem>> -> memref<1x!tpu.dma_semaphore, #tpu.memory_space<semaphore_mem>>
    %dma_wait3A_86 = tpu.memref_squeeze %dma_wait3A_85 : memref<1x!tpu.dma_semaphore, #tpu.memory_space<semaphore_mem>> -> memref<!tpu.dma_semaphore, #tpu.memory_space<semaphore_mem>>
    tpu.wait_indirect_dma semaphore(%dma_wait3A_86 : memref<!tpu.dma_semaphore, #tpu.memory_space<semaphore_mem>>) src(%dma_wait3A_84 : memref<100001x128xf32, #tpu.memory_space<hbm>>) dst(%dma_wait3A_79 : memref<128x128xf32, #tpu.memory_space<vmem>>)
    %add3A_87 = arith.constant 0 : i32
    %add3A_88 = arith.addi %mul3A_2, %add3A_87 : i32
    %dma_start3A_89 = arith.constant 0 : i32
    %dma_start3A_90 = arith.constant 0 : i32
    %dma_start3A_91 = tpu.memref_slice %arg9[%dma_start3A_89, %dma_start3A_90] : memref<512x128xf32, #tpu.memory_space<vmem>> -> memref<128x128xf32, #tpu.memory_space<vmem>>
    %dma_start3A_92 = arith.constant 0 : i32
    %dma_start3A_93 = tpu.memref_slice %arg5[%add3A_88, %dma_start3A_92] : memref<16384x128xf32, #tpu.memory_space<hbm>> -> memref<128x128xf32, #tpu.memory_space<hbm>>
    %dma_start3A_94 = arith.constant 0 : i32
    %dma_start3A_95 = tpu.memref_slice %arg5[%add3A_88, %dma_start3A_94] : memref<16384x128xf32, #tpu.memory_space<hbm>> -> memref<128x128xf32, #tpu.memory_space<hbm>>
    %dma_start3A_96 = arith.constant 0 : i32
    %dma_start3A_97 = arith.constant 0 : i32
    %dma_start3A_98 = tpu.memref_slice %arg9[%dma_start3A_96, %dma_start3A_97] : memref<512x128xf32, #tpu.memory_space<vmem>> -> memref<128x128xf32, #tpu.memory_space<vmem>>
    tpu.enqueue_dma source(%dma_start3A_98 : memref<128x128xf32, #tpu.memory_space<vmem>>) target(%dma_start3A_95 : memref<128x128xf32, #tpu.memory_space<hbm>>) target_semaphore(%arg12 : memref<!tpu.dma_semaphore, #tpu.memory_space<semaphore_mem>>)
    %dma_wait3A_99 = arith.constant 1 : i32
    %dma_wait3A_100 = arith.constant 128 : i32
    %dma_wait3A_101 = arith.constant 0 : i32
    %dma_wait3A_102 = tpu.memref_slice %arg9[%dma_wait3A_100, %dma_wait3A_101] : memref<512x128xf32, #tpu.memory_space<vmem>> -> memref<128x128xf32, #tpu.memory_space<vmem>>
    %dma_wait3A_103 = arith.constant 128 : i32
    %dma_wait3A_104 = tpu.memref_slice %arg8[%dma_wait3A_103] : memref<512xi32, #tpu.memory_space<vmem>> -> memref<128xi32, #tpu.memory_space<vmem>>
    %dma_wait3A_105 = arith.constant 0 : i32
    %dma_wait3A_106 = arith.constant 0 : i32
    %dma_wait3A_107 = tpu.memref_slice %arg4[%dma_wait3A_105, %dma_wait3A_106] : memref<100001x128xf32, #tpu.memory_space<hbm>> -> memref<100001x128xf32, #tpu.memory_space<hbm>>
    %dma_wait3A_108 = tpu.memref_slice %arg11[%dma_wait3A_99] : memref<4x!tpu.dma_semaphore, #tpu.memory_space<semaphore_mem>> -> memref<1x!tpu.dma_semaphore, #tpu.memory_space<semaphore_mem>>
    %dma_wait3A_109 = tpu.memref_squeeze %dma_wait3A_108 : memref<1x!tpu.dma_semaphore, #tpu.memory_space<semaphore_mem>> -> memref<!tpu.dma_semaphore, #tpu.memory_space<semaphore_mem>>
    tpu.wait_indirect_dma semaphore(%dma_wait3A_109 : memref<!tpu.dma_semaphore, #tpu.memory_space<semaphore_mem>>) src(%dma_wait3A_107 : memref<100001x128xf32, #tpu.memory_space<hbm>>) dst(%dma_wait3A_102 : memref<128x128xf32, #tpu.memory_space<vmem>>)
    %add3A_110 = arith.constant 128 : i32
    %add3A_111 = arith.addi %mul3A_2, %add3A_110 : i32
    %dma_start3A_112 = arith.constant 128 : i32
    %dma_start3A_113 = arith.constant 0 : i32
    %dma_start3A_114 = tpu.memref_slice %arg9[%dma_start3A_112, %dma_start3A_113] : memref<512x128xf32, #tpu.memory_space<vmem>> -> memref<128x128xf32, #tpu.memory_space<vmem>>
    %dma_start3A_115 = arith.constant 0 : i32
    %dma_start3A_116 = tpu.memref_slice %arg5[%add3A_111, %dma_start3A_115] : memref<16384x128xf32, #tpu.memory_space<hbm>> -> memref<128x128xf32, #tpu.memory_space<hbm>>
    %dma_start3A_117 = arith.constant 0 : i32
    %dma_start3A_118 = tpu.memref_slice %arg5[%add3A_111, %dma_start3A_117] : memref<16384x128xf32, #tpu.memory_space<hbm>> -> memref<128x128xf32, #tpu.memory_space<hbm>>
    %dma_start3A_119 = arith.constant 128 : i32
    %dma_start3A_120 = arith.constant 0 : i32
    %dma_start3A_121 = tpu.memref_slice %arg9[%dma_start3A_119, %dma_start3A_120] : memref<512x128xf32, #tpu.memory_space<vmem>> -> memref<128x128xf32, #tpu.memory_space<vmem>>
    tpu.enqueue_dma source(%dma_start3A_121 : memref<128x128xf32, #tpu.memory_space<vmem>>) target(%dma_start3A_118 : memref<128x128xf32, #tpu.memory_space<hbm>>) target_semaphore(%arg12 : memref<!tpu.dma_semaphore, #tpu.memory_space<semaphore_mem>>)
    %dma_wait3A_122 = arith.constant 2 : i32
    %dma_wait3A_123 = arith.constant 256 : i32
    %dma_wait3A_124 = arith.constant 0 : i32
    %dma_wait3A_125 = tpu.memref_slice %arg9[%dma_wait3A_123, %dma_wait3A_124] : memref<512x128xf32, #tpu.memory_space<vmem>> -> memref<128x128xf32, #tpu.memory_space<vmem>>
    %dma_wait3A_126 = arith.constant 256 : i32
    %dma_wait3A_127 = tpu.memref_slice %arg8[%dma_wait3A_126] : memref<512xi32, #tpu.memory_space<vmem>> -> memref<128xi32, #tpu.memory_space<vmem>>
    %dma_wait3A_128 = arith.constant 0 : i32
    %dma_wait3A_129 = arith.constant 0 : i32
    %dma_wait3A_130 = tpu.memref_slice %arg4[%dma_wait3A_128, %dma_wait3A_129] : memref<100001x128xf32, #tpu.memory_space<hbm>> -> memref<100001x128xf32, #tpu.memory_space<hbm>>
    %dma_wait3A_131 = tpu.memref_slice %arg11[%dma_wait3A_122] : memref<4x!tpu.dma_semaphore, #tpu.memory_space<semaphore_mem>> -> memref<1x!tpu.dma_semaphore, #tpu.memory_space<semaphore_mem>>
    %dma_wait3A_132 = tpu.memref_squeeze %dma_wait3A_131 : memref<1x!tpu.dma_semaphore, #tpu.memory_space<semaphore_mem>> -> memref<!tpu.dma_semaphore, #tpu.memory_space<semaphore_mem>>
    tpu.wait_indirect_dma semaphore(%dma_wait3A_132 : memref<!tpu.dma_semaphore, #tpu.memory_space<semaphore_mem>>) src(%dma_wait3A_130 : memref<100001x128xf32, #tpu.memory_space<hbm>>) dst(%dma_wait3A_125 : memref<128x128xf32, #tpu.memory_space<vmem>>)
    %add3A_133 = arith.constant 256 : i32
    %add3A_134 = arith.addi %mul3A_2, %add3A_133 : i32
    %dma_start3A_135 = arith.constant 256 : i32
    %dma_start3A_136 = arith.constant 0 : i32
    %dma_start3A_137 = tpu.memref_slice %arg9[%dma_start3A_135, %dma_start3A_136] : memref<512x128xf32, #tpu.memory_space<vmem>> -> memref<128x128xf32, #tpu.memory_space<vmem>>
    %dma_start3A_138 = arith.constant 0 : i32
    %dma_start3A_139 = tpu.memref_slice %arg5[%add3A_134, %dma_start3A_138] : memref<16384x128xf32, #tpu.memory_space<hbm>> -> memref<128x128xf32, #tpu.memory_space<hbm>>
    %dma_start3A_140 = arith.constant 0 : i32
    %dma_start3A_141 = tpu.memref_slice %arg5[%add3A_134, %dma_start3A_140] : memref<16384x128xf32, #tpu.memory_space<hbm>> -> memref<128x128xf32, #tpu.memory_space<hbm>>
    %dma_start3A_142 = arith.constant 256 : i32
    %dma_start3A_143 = arith.constant 0 : i32
    %dma_start3A_144 = tpu.memref_slice %arg9[%dma_start3A_142, %dma_start3A_143] : memref<512x128xf32, #tpu.memory_space<vmem>> -> memref<128x128xf32, #tpu.memory_space<vmem>>
    tpu.enqueue_dma source(%dma_start3A_144 : memref<128x128xf32, #tpu.memory_space<vmem>>) target(%dma_start3A_141 : memref<128x128xf32, #tpu.memory_space<hbm>>) target_semaphore(%arg12 : memref<!tpu.dma_semaphore, #tpu.memory_space<semaphore_mem>>)
    %dma_wait3A_145 = arith.constant 3 : i32
    %dma_wait3A_146 = arith.constant 384 : i32
    %dma_wait3A_147 = arith.constant 0 : i32
    %dma_wait3A_148 = tpu.memref_slice %arg9[%dma_wait3A_146, %dma_wait3A_147] : memref<512x128xf32, #tpu.memory_space<vmem>> -> memref<128x128xf32, #tpu.memory_space<vmem>>
    %dma_wait3A_149 = arith.constant 384 : i32
    %dma_wait3A_150 = tpu.memref_slice %arg8[%dma_wait3A_149] : memref<512xi32, #tpu.memory_space<vmem>> -> memref<128xi32, #tpu.memory_space<vmem>>
    %dma_wait3A_151 = arith.constant 0 : i32
    %dma_wait3A_152 = arith.constant 0 : i32
    %dma_wait3A_153 = tpu.memref_slice %arg4[%dma_wait3A_151, %dma_wait3A_152] : memref<100001x128xf32, #tpu.memory_space<hbm>> -> memref<100001x128xf32, #tpu.memory_space<hbm>>
    %dma_wait3A_154 = tpu.memref_slice %arg11[%dma_wait3A_145] : memref<4x!tpu.dma_semaphore, #tpu.memory_space<semaphore_mem>> -> memref<1x!tpu.dma_semaphore, #tpu.memory_space<semaphore_mem>>
    %dma_wait3A_155 = tpu.memref_squeeze %dma_wait3A_154 : memref<1x!tpu.dma_semaphore, #tpu.memory_space<semaphore_mem>> -> memref<!tpu.dma_semaphore, #tpu.memory_space<semaphore_mem>>
    tpu.wait_indirect_dma semaphore(%dma_wait3A_155 : memref<!tpu.dma_semaphore, #tpu.memory_space<semaphore_mem>>) src(%dma_wait3A_153 : memref<100001x128xf32, #tpu.memory_space<hbm>>) dst(%dma_wait3A_148 : memref<128x128xf32, #tpu.memory_space<vmem>>)
    %add3A_156 = arith.constant 384 : i32
    %add3A_157 = arith.addi %mul3A_2, %add3A_156 : i32
    %dma_start3A_158 = arith.constant 384 : i32
    %dma_start3A_159 = arith.constant 0 : i32
    %dma_start3A_160 = tpu.memref_slice %arg9[%dma_start3A_158, %dma_start3A_159] : memref<512x128xf32, #tpu.memory_space<vmem>> -> memref<128x128xf32, #tpu.memory_space<vmem>>
    %dma_start3A_161 = arith.constant 0 : i32
    %dma_start3A_162 = tpu.memref_slice %arg5[%add3A_157, %dma_start3A_161] : memref<16384x128xf32, #tpu.memory_space<hbm>> -> memref<128x128xf32, #tpu.memory_space<hbm>>
    %dma_start3A_163 = arith.constant 0 : i32
    %dma_start3A_164 = tpu.memref_slice %arg5[%add3A_157, %dma_start3A_163] : memref<16384x128xf32, #tpu.memory_space<hbm>> -> memref<128x128xf32, #tpu.memory_space<hbm>>
    %dma_start3A_165 = arith.constant 384 : i32
    %dma_start3A_166 = arith.constant 0 : i32
    %dma_start3A_167 = tpu.memref_slice %arg9[%dma_start3A_165, %dma_start3A_166] : memref<512x128xf32, #tpu.memory_space<vmem>> -> memref<128x128xf32, #tpu.memory_space<vmem>>
    tpu.enqueue_dma source(%dma_start3A_167 : memref<128x128xf32, #tpu.memory_space<vmem>>) target(%dma_start3A_164 : memref<128x128xf32, #tpu.memory_space<hbm>>) target_semaphore(%arg12 : memref<!tpu.dma_semaphore, #tpu.memory_space<semaphore_mem>>)
    %dma_wait3A_168 = arith.constant 0 : i32
    %dma_wait3A_169 = arith.constant 0 : i32
    %dma_wait3A_170 = tpu.memref_slice %arg9[%dma_wait3A_168, %dma_wait3A_169] : memref<512x128xf32, #tpu.memory_space<vmem>> -> memref<128x128xf32, #tpu.memory_space<vmem>>
    %dma_wait3A_171 = arith.constant 0 : i32
    %dma_wait3A_172 = tpu.memref_slice %arg5[%add3A_88, %dma_wait3A_171] : memref<16384x128xf32, #tpu.memory_space<hbm>> -> memref<128x128xf32, #tpu.memory_space<hbm>>
    %dma_wait3A_173 = arith.constant 0 : i32
    %dma_wait3A_174 = tpu.memref_slice %arg5[%add3A_88, %dma_wait3A_173] : memref<16384x128xf32, #tpu.memory_space<hbm>> -> memref<128x128xf32, #tpu.memory_space<hbm>>
    %dma_wait3A_175 = arith.constant 0 : i32
    %dma_wait3A_176 = arith.constant 0 : i32
    %dma_wait3A_177 = tpu.memref_slice %arg9[%dma_wait3A_175, %dma_wait3A_176] : memref<512x128xf32, #tpu.memory_space<vmem>> -> memref<128x128xf32, #tpu.memory_space<vmem>>
    tpu.wait_dma2 semaphore(%arg12 : memref<!tpu.dma_semaphore, #tpu.memory_space<semaphore_mem>>) src(%dma_wait3A_177 : memref<128x128xf32, #tpu.memory_space<vmem>>) dst(%dma_wait3A_174 : memref<128x128xf32, #tpu.memory_space<hbm>>)
    %dma_wait3A_178 = arith.constant 128 : i32
    %dma_wait3A_179 = arith.constant 0 : i32
    %dma_wait3A_180 = tpu.memref_slice %arg9[%dma_wait3A_178, %dma_wait3A_179] : memref<512x128xf32, #tpu.memory_space<vmem>> -> memref<128x128xf32, #tpu.memory_space<vmem>>
    %dma_wait3A_181 = arith.constant 0 : i32
    %dma_wait3A_182 = tpu.memref_slice %arg5[%add3A_111, %dma_wait3A_181] : memref<16384x128xf32, #tpu.memory_space<hbm>> -> memref<128x128xf32, #tpu.memory_space<hbm>>
    %dma_wait3A_183 = arith.constant 0 : i32
    %dma_wait3A_184 = tpu.memref_slice %arg5[%add3A_111, %dma_wait3A_183] : memref<16384x128xf32, #tpu.memory_space<hbm>> -> memref<128x128xf32, #tpu.memory_space<hbm>>
    %dma_wait3A_185 = arith.constant 128 : i32
    %dma_wait3A_186 = arith.constant 0 : i32
    %dma_wait3A_187 = tpu.memref_slice %arg9[%dma_wait3A_185, %dma_wait3A_186] : memref<512x128xf32, #tpu.memory_space<vmem>> -> memref<128x128xf32, #tpu.memory_space<vmem>>
    tpu.wait_dma2 semaphore(%arg12 : memref<!tpu.dma_semaphore, #tpu.memory_space<semaphore_mem>>) src(%dma_wait3A_187 : memref<128x128xf32, #tpu.memory_space<vmem>>) dst(%dma_wait3A_184 : memref<128x128xf32, #tpu.memory_space<hbm>>)
    %dma_wait3A_188 = arith.constant 256 : i32
    %dma_wait3A_189 = arith.constant 0 : i32
    %dma_wait3A_190 = tpu.memref_slice %arg9[%dma_wait3A_188, %dma_wait3A_189] : memref<512x128xf32, #tpu.memory_space<vmem>> -> memref<128x128xf32, #tpu.memory_space<vmem>>
    %dma_wait3A_191 = arith.constant 0 : i32
    %dma_wait3A_192 = tpu.memref_slice %arg5[%add3A_134, %dma_wait3A_191] : memref<16384x128xf32, #tpu.memory_space<hbm>> -> memref<128x128xf32, #tpu.memory_space<hbm>>
    %dma_wait3A_193 = arith.constant 0 : i32
    %dma_wait3A_194 = tpu.memref_slice %arg5[%add3A_134, %dma_wait3A_193] : memref<16384x128xf32, #tpu.memory_space<hbm>> -> memref<128x128xf32, #tpu.memory_space<hbm>>
    %dma_wait3A_195 = arith.constant 256 : i32
    %dma_wait3A_196 = arith.constant 0 : i32
    %dma_wait3A_197 = tpu.memref_slice %arg9[%dma_wait3A_195, %dma_wait3A_196] : memref<512x128xf32, #tpu.memory_space<vmem>> -> memref<128x128xf32, #tpu.memory_space<vmem>>
    tpu.wait_dma2 semaphore(%arg12 : memref<!tpu.dma_semaphore, #tpu.memory_space<semaphore_mem>>) src(%dma_wait3A_197 : memref<128x128xf32, #tpu.memory_space<vmem>>) dst(%dma_wait3A_194 : memref<128x128xf32, #tpu.memory_space<hbm>>)
    %dma_wait3A_198 = arith.constant 384 : i32
    %dma_wait3A_199 = arith.constant 0 : i32
    %dma_wait3A_200 = tpu.memref_slice %arg9[%dma_wait3A_198, %dma_wait3A_199] : memref<512x128xf32, #tpu.memory_space<vmem>> -> memref<128x128xf32, #tpu.memory_space<vmem>>
    %dma_wait3A_201 = arith.constant 0 : i32
    %dma_wait3A_202 = tpu.memref_slice %arg5[%add3A_157, %dma_wait3A_201] : memref<16384x128xf32, #tpu.memory_space<hbm>> -> memref<128x128xf32, #tpu.memory_space<hbm>>
    %dma_wait3A_203 = arith.constant 0 : i32
    %dma_wait3A_204 = tpu.memref_slice %arg5[%add3A_157, %dma_wait3A_203] : memref<16384x128xf32, #tpu.memory_space<hbm>> -> memref<128x128xf32, #tpu.memory_space<hbm>>
    %dma_wait3A_205 = arith.constant 384 : i32
    %dma_wait3A_206 = arith.constant 0 : i32
    %dma_wait3A_207 = tpu.memref_slice %arg9[%dma_wait3A_205, %dma_wait3A_206] : memref<512x128xf32, #tpu.memory_space<vmem>> -> memref<128x128xf32, #tpu.memory_space<vmem>>
    tpu.wait_dma2 semaphore(%arg12 : memref<!tpu.dma_semaphore, #tpu.memory_space<semaphore_mem>>) src(%dma_wait3A_207 : memref<128x128xf32, #tpu.memory_space<vmem>>) dst(%dma_wait3A_204 : memref<128x128xf32, #tpu.memory_space<hbm>>)
    return
  }
}

</mosaic_0001>

<sc_bundles>
// kernel: kernel.3.cloned.1.call-start
scs
__scs_entry_jumppad:
0x0: {  	(pc) =	sbr.rel $0x88, $3  }
0x1: {  	(tag) =	ssettag $0x0;
	lr =	simm.s32 $0x1  }
0x2: {  	[smem:$0x3F9E] =	sst lr;
	_ =	strace $0xD0000000  }
0x3: {  	_ = 	snop  }
0x4: {  	_ = 	snop  }
0x5: {  	_ = 	snop  }
0x6: {  	_ = 	snop  }
0x7: {  	_ = 	snop  }
__scs_overlays_trampoline_lowered:
0x8: {  	[smem:$0x3FAD] =	sst s0  }
0x9: {  	[smem:$0x3FAE] =	sst s1  }
0xa: {  	[smem:$0x3FAF] =	sst s2  }
0xb: {  	[smem:$0x3FB0] =	sst s3  }
0xc: {  	[smem:$0x3FB1] =	sst s4  }
0xd: {  	[smem:$0x3FB2] =	sst s5  }
0xe: {  	[smem:$0x3FB3] =	sst s6  }
0xf: {  	[smem:$0x3FB4] =	sst s7  }
0x10: {  	[smem:$0x3FB5] =	sst s8  }
0x11: {  	[smem:$0x3FB6] =	sst s9;
	s0 =	simm.s32 @!p0 $0x0  }
0x12: {  	s1 =	sld [smem:$0x3F9C];
	s0 =	simm.s32 @p0 $0x1  }
0x13: {  	[smem:$0x3FB7] =	sst s0;
	s0 =	simm.s32 @!p1 $0x0  }
0x14: {  	s2 =	sld [smem:$0x3F9B];
	s0 =	simm.s32 @p1 $0x1  }
0x15: {  	[smem:$0x3FB8] =	sst s0;
	s0 =	simm.s32 @!p2 $0x0  }
0x16: {  	s3 =	sld [smem:$0x3FDB];
	s0 =	simm.s32 @p2 $0x1  }
0x17: {  	s4 =	simm.s32 $0x1BF5;
	[smem:$0x3FBA] =	sst s0  }
0x18: {  	s0 =	sld [smem:$0x3F9D];
	_ =	swait.ge [sflag:s4], $0x0  }
0x19: {  	s7 =	sld [smem:$0x3F9E]  }
0x1a: {  	s8 =	sadd.s32 $0xFFFFE003, lr  }
0x1b: {  	s9 =	sadd.s32 $0xFFFFFEF7, lr;
	s5 =	simm.s32 $0xFFFFFFFF;
	p2 =	slt.u32 s8, $0xFFFFF086  }
0x1c: {  	p1 =	slt.u32 s9, $0xF7A;
	s5 =	simm.s32 @!p2 $0x0  }
0x1d: {  	s5 =	simm.s32 @p1 $0x1;
	p0 =	seq.s32 s7, s2  }
0x1e: {  	s7 =	smul.u32 @!p0 $0xF7A, s2;
	p2 =	seq.s32 @!p0 s5, $0x0  }
0x1f: {  	s9 =	smul.u32 $0xF7A, s1;
	s8 =	simm.s32 @!p0 $0x1BF5;
	p2 =	por !p2, p0  }
0x20: {  	[sflag:s8] =	ssyncset.s32 @!p0 $0xFFFFF086;
	s6 =	sadd.s32 @!p0 s3, s7;
	s7 =	simm.s32 @!p0 $0x108  }
0x21: {  	s3 =	sadd.s32 s3, s9;
	s6 =	sadd.s32 @!p0 $0x88, s6;
	s7 =	simm.s32 @p2 $0x1082  }
0x22: {  	[simem:s7], [sflag:s8] =	dma.local @!p0 [hbm:s6], $0xF7A  }
0x23: {  	s9 =	sor.u32 $0xD0000000, s2;
	s6 =	simm.s32 $0x108;
	_ =	swait.ge @!p0 [sflag:s8], $0x0  }
0x24: {  	s3 =	sadd.s32 $0x88, s3;
	s6 =	simm.s32 @!p1 $0x1082;
	[sflag:s4] =	ssyncset.s32 $0xFFFFF086  }
0x25: {  	[simem:s6], [sflag:s4] =	dma.local [hbm:s3], $0xF7A  }
0x26: {  	[smem:$0x3F9E] =	sst s1;
	(tag) =	ssettag s2;
	_ =	strace s9  }
0x27: {  	s1 =	sld [smem:$0x3FAE]  }
0x28: {  	s2 =	sld [smem:$0x3FAF]  }
0x29: {  	s4 =	sld [smem:$0x3FB1]  }
0x2a: {  	p0 =	seq.s32 s5, $0x0;
	s5 =	sld [smem:$0x3FB2]  }
0x2b: {  	s6 =	sld [smem:$0x3FB3]  }
0x2c: {  	s7 =	sld [smem:$0x3FB4]  }
0x2d: {  	s3 =	simm.s32 $0x108;
	s8 =	sld [smem:$0x3FB5]  }
0x2e: {  	s3 =	simm.s32 @!p0 $0x1082;
	s9 =	sld [smem:$0x3FB6]  }
0x2f: {  	lr =	sadd.s32 s0, s3;
	s0 =	sld [smem:$0x3FAD]  }
0x30: {  	s3 =	sld [smem:$0x3FB0]  }
0x31: {  	[smem:$0x3FB9] =	sst s10  }
0x32: {  	s10 =	sld [smem:$0x3FB7];
	_ =	sdelay $0x3  }
0x33: {  	p0 =	seq.s32 s10, $0x1;
	s10 =	sld [smem:$0x3FB9];
	_ =	sdelay $0x3  }
0x34: {  	[smem:$0x3FB9] =	sst s10  }
0x35: {  	s10 =	sld [smem:$0x3FB8];
	_ =	sdelay $0x3  }
0x36: {  	p1 =	seq.s32 s10, $0x1;
	s10 =	sld [smem:$0x3FB9];
	_ =	sdelay $0x3  }
0x37: {  	[smem:$0x3FB9] =	sst s10  }
0x38: {  	s10 =	sld [smem:$0x3FBA]  }
0x39: {  	_ = 	snop;
	(pc) =	sbr.ind lr, $3  }
0x3a: {  	_ = 	snop  }
0x3b: {  	_ = 	snop  }
0x3c: {  	p2 =	seq.s32 s10, $0x1;
	s10 =	sld [smem:$0x3FB9]  }
0x3d: {  	_ =	shalt  }
0x3e: {  	_ =	shalt  }
0x3f: {  	_ =	shalt  }
0x40: {  	_ =	shalt  }
0x41: {  	_ =	shalt  }
0x42: {  	_ =	shalt  }
0x43: {  	_ =	shalt  }
0x44: {  	_ =	shalt  }
0x45: {  	_ =	shalt  }
0x46: {  	_ =	shalt  }
0x47: {  	_ =	shalt  }
0x48: {  	_ =	shalt  }
0x49: {  	_ =	shalt  }
0x4a: {  	_ =	shalt  }
0x4b: {  	_ =	shalt  }
0x4c: {  	_ =	shalt  }
0x4d: {  	_ =	shalt  }
0x4e: {  	_ =	shalt  }
0x4f: {  	_ =	shalt  }
0x50: {  	_ =	shalt  }
0x51: {  	_ =	shalt  }
0x52: {  	_ =	shalt  }
0x53: {  	_ =	shalt  }
0x54: {  	_ =	shalt  }
0x55: {  	_ =	shalt  }
0x56: {  	_ =	shalt  }
0x57: {  	_ =	shalt  }
0x58: {  	_ =	shalt  }
0x59: {  	_ =	shalt  }
0x5a: {  	_ =	shalt  }
0x5b: {  	_ =	shalt  }
0x5c: {  	_ =	shalt  }
0x5d: {  	_ =	shalt  }
0x5e: {  	_ =	shalt  }
0x5f: {  	_ =	shalt  }
0x60: {  	_ =	shalt  }
0x61: {  	_ =	shalt  }
0x62: {  	_ =	shalt  }
0x63: {  	_ =	shalt  }
0x64: {  	_ =	shalt  }
0x65: {  	_ =	shalt  }
0x66: {  	_ =	shalt  }
0x67: {  	_ =	shalt  }
0x68: {  	_ =	shalt  }
0x69: {  	_ =	shalt  }
0x6a: {  	_ =	shalt  }
0x6b: {  	_ =	shalt  }
0x6c: {  	_ =	shalt  }
0x6d: {  	_ =	shalt  }
0x6e: {  	_ =	shalt  }
0x6f: {  	_ =	shalt  }
0x70: {  	_ =	shalt  }
0x71: {  	_ =	shalt  }
0x72: {  	_ =	shalt  }
0x73: {  	_ =	shalt  }
0x74: {  	_ =	shalt  }
0x75: {  	_ =	shalt  }
0x76: {  	_ =	shalt  }
0x77: {  	_ =	shalt  }
0x78: {  	_ =	shalt  }
0x79: {  	_ =	shalt  }
0x7a: {  	_ =	shalt  }
0x7b: {  	_ =	shalt  }
0x7c: {  	_ =	shalt  }
0x7d: {  	_ =	shalt  }
0x7e: {  	_ =	shalt  }
0x7f: {  	_ =	shalt  }
0x80: {  	_ =	shalt  }
0x81: {  	_ =	shalt  }
0x82: {  	_ =	shalt  }
0x83: {  	_ =	shalt  }
0x84: {  	_ =	shalt  }
0x85: {  	_ =	shalt  }
0x86: {  	_ =	shalt  }
0x87: {  	_ =	shalt  }
.Lfunc_end0:
.L_simem_size_0:
called_computation_lowered:
.L_overlay_start_0:
0x88: {  	s2 =	sld [smem:$0x3FD9]  }
0x89: {  	s3 =	sld [smem:$0x3FFE];
	_ =	sdelay $0x1  }
0x8a: {  	s1 =	srdreg.scid  }
0x8b: {  	s0 =	sand.u32 $0x1, s1  }
0x8c: {  	s18 =	sshll.u32 s0, $0xA;
	s2 =	sadd.s32 s3, s2  }
0x8d: {  	s2 =	sadd.s32 s2, s18  }
0x8e: {  	[smem:$0x3FC5] =	sst s2  }
0x8f: {  	_ = 	snop  }
0x90: {  	s2 =	sld [smem:$0x3FC9]  }
0x91: {  	s19 =	sld [smem:$0x3FC8]  }
0x92: {  	s4 =	sld [smem:$0x3FC7]  }
0x93: {  	s5 =	sld [smem:$0x3FD0];
	(tm) =	ssettm $0x1  }
0x94: {  	s6 =	sld [smem:$0x3FFB];
	_ =	sdelay $0x3  }
0x95: {  	_ =	strace s6  }
0x96: {  	s6 =	sld [smem:$0x3FFC];
	_ =	sdelay $0x3  }
0x97: {  	_ =	strace s6  }
0x98: {  	s6 =	sld [smem:$0x3FFD];
	_ =	sdelay $0x3  }
0x99: {  	_ =	strace s6  }
0x9a: {  	_ =	strace $0x8FFFFFFF  }
0x9b: {  	s20 =	sld [smem:$0x3FDB];
	_ =	sdelay $0x1  }
0x9c: {  	s7 =	simm.s32 $_scs_section_size  }
0x9d: {  	s8 =	simm.s32 $_size__tile_overlayer_lowered;
	s9 =	simm.s32 $_tile_overlayer_lowered  }
0x9e: {  	s23 =	simm.s32 $0x1BFF;
	s22 =	sshll.u32 s9, $0x1;
	s6 =	sadd.s32 s7, s20  }
0x9f: {  	s10 =	simm.s32 $0x0;
	s21 =	sshll.u32 s8, $0x1;
	s8 =	sadd.s32 s22, s6  }
0xa0: {  	[timem:s10], [sflag:s23] =	dma.local [hbm:s8], s21  }
0xa1: {  	_ =	swait.ge [sflag:s23], s21  }
0xa2: {  	s7 =	ssub.s32 $0x0, s21;
	[sflag:s23] =	ssyncset.done $0x0  }
0xa3: {  	[sflag:s23] =	ssyncadd.s32 s7;
	_ =	sdelay $0x1  }
0xa4: {  	s24 =	simm.s32 $0x1B8B  }
0xa5: {  	_ =	swait.ge [sflag:s24], $0x1  }
0xa6: {  	[sflag:s24] =	ssyncset.done $0x0  }
0xa7: {  	s25 =	simm.s32 $0x1B8E;
	[sflag:s24] =	ssyncadd.s32 $0xFFFFFFFF  }
0xa8: {  	s26 =	simm.s32 $execute0_lowered;
	[smem:$0x3FD2] =	sst s25  }
0xa9: {  	s7 =	sshll.u32 s26, $0x1;
	_ =	strace $0x80000046;
	[dreg:$0x1] =	wrdreg $0xFFFFFFFF  }
0xaa: {  	s28 =	simm.s32 $_size_execute0_lowered;
	s6 =	sadd.s32 s6, s7;
	[dreg:$0x0] =	wrdreg $0x0  }
0xab: {  	s7 =	sshll.u32 s28, $0x1;
	[dreg:$0x2] =	wrdreg s6  }
0xac: {  	[dreg:$0x3] =	wrdreg s7  }
0xad: {  	[dreg:$0x4] =	wrdreg $0xC0  }
0xae: {  	_ =	task [dreg:s10], $0x5FFFF  }
0xaf: {  	[dreg:$0x1] =	wrdreg $0xFFFFFFFF  }
0xb0: {  	[dreg:$0x0] =	wrdreg $0x60  }
0xb1: {  	[dreg:$0x2] =	wrdreg s2  }
0xb2: {  	[dreg:$0x3] =	wrdreg s19  }
0xb3: {  	[dreg:$0x4] =	wrdreg s4  }
0xb4: {  	[dreg:$0x5] =	wrdreg s5  }
0xb5: {  	[dreg:$0x6] =	wrdreg $0x9  }
0xb6: {  	_ =	task.clear_ibuf [dreg:s10], $0x7FFFF;
	_ =	strace $0x90000046  }
0xb7: {  	s29 =	simm.s32 $0x9;
	_ =	strace $0x80000048  }
0xb8: {  	_ =	swait.ge [sflag:s29], $0x1  }
0xb9: {  	[sflag:s29] =	ssyncadd.s32 $0xFFFFFFFF  }
0xba: {  	_ =	strace $0x90000048  }
0xbb: {  	_ =	sfence  }
0xbc: {  	s30 =	sld [smem:$0x0];
	_ =	sdelay $0x2  }
0xbd: {  	s31 =	sshll.u32 s1, $0xD;
	s1 =	sshrl.u32 s1, $0x2  }
0xbe: {  	s3 =	sand.u32 $0x4000, s31;
	s1 =	sadd.s32 s1, s30  }
0xbf: {  	s0 =	sor.u32 s3, s0;
	s1 =	sshll.u32 s1, $0x11  }
0xc0: {  	s0 =	sor.u32 s1, s0  }
0xc1: {  	s0 =	sadd.s32 $0x8F2B, s0  }
0xc2: {  	[sflag:s0] =	ssyncadd.remote.s32 $0x1  }
0xc3: {  	_ =	sfence.sel $0xFFFF  }
0xc4: {  	[dreg:$0x0] =	wrdreg $0xFFFFFFFF;
	(pc) =	sbr.abs _section_cstart, $3  }
0xc5: {  	[dreg:$0x1] =	wrdreg $0xFFFFFFFF  }
0xc6: {  	_ =	task.clear_ibuf [dreg:s10], $0x2FFFF;
	_ =	strace $0x9FFFFFFF  }
0xc7: {  	(tm) =	ssettm $0x7FFFFFFF  }
tec
execute0_lowered:
.L_overlay_start_1:
0x0: {  	(tag) =	ssettag $0x1  }
0x1: {  	s0 =	rddreg [dreg:$0x0]  }
0x2: {  	s2 =	rddreg [dreg:$0x1]  }
0x3: {  	s1 =	rddreg [dreg:$0x2]  }
0x4: {  	s6 =	rddreg [dreg:$0x3];
	s3 =	simm.s32 $0x0;
	s4 =	srdreg.scid  }
0x5: {  	s7 =	stileid.u32;
	s11 =	simm.s32 $0x200;
	s12 =	simm.s32 $0x1  }
0x6: {  	s13 =	simm.s32 $0x80;
	s14 =	simm.s32 $0x400;
	s15 =	simm.s32 $0x600  }
0x7: {  	s16 =	simm.s32 $0x480;
	s17 =	simm.s32 $0x4600;
	s18 =	simm.s32 $0x500  }
0x8: {  	s19 =	simm.s32 $0x8600;
	s20 =	simm.s32 $0x580;
	s21 =	simm.s32 $0xC600  }
0x9: {  	s22 =	simm.s32 $0x2;
	s23 =	simm.s32 $0x3;
	s24 =	simm.s32 $0x4  }
0xa: {  	s25 =	simm.s32 $0x5;
	s26 =	simm.s32 $0x6;
	s4 =	sand.u32 $0x1, s4  }
0xb: {  	s7 =	sshll.u32 s7, $0xA;
	s5 =	ssub.s32 $0x2, s4;
	s4 =	sshll.u32 s4, $0x9  }
0xc: {  	s28 =	simm.s32 $0x0;
	[smem:$0x7FF] =	sst s3;
	s4 =	sor.u32 s4, s7  }
0xd: {  	_ =	strace $0x80000047;
	s8 =	sshrl.u32 s5, $0x1;
	s31 =	sshrl.u32 s4, $0x3  }
0xe: {  	s10 =	ssub.s32 s5, s8;
	s7 =	sshll.u32 s4, $0x4;
	s4 =	sadd.s32 s0, s31  }
0xf: {  	s5 =	sadd.s32 s2, s31;
	s6 =	sadd.s32 s6, s7;
	s10 =	smax.u32 s10, $0x1  }
0x10: {  	s7 =	sadd.s32 $0x800, s6;
	s8 =	sadd.s32 $0x1000, s6;
	s9 =	sadd.s32 $0x1800, s6  }
.LBB2_1:
0x11: {  	[tilespmem:s3], [sflag:$0x1] =	stream.linear.gather [hbm4b:s4+s3], $0x200, $0x38;
	[tilespmem:$0x10600] =	vst v63  }
0x12: {  	_ = 	snop  }
0x13: {  	[tilespmem:s11], [sflag:$0x1] =	stream.linear.gather [hbm4b:s5+s3], $0x200, $0x38;
	[tilespmem:$0x10600] =	vst v63  }
0x14: {  	_ =	swait.ge [sflag:s12], $0x200  }
0x15: {  	[sflag:s12] =	ssyncset.done $0x0  }
0x16: {  	[sflag:s12] =	ssyncadd.s32 $0xFFFFFE00  }
0x17: {  	_ =	swait.ge [sflag:s12], $0x200  }
0x18: {  	[sflag:s12] =	ssyncset.done $0x0  }
0x19: {  	s0 =	simm.s32 $0x10;
	[sflag:s12] =	ssyncadd.s32 $0xFFFFFE00  }
0x1a: {  	s29 =	simm.s32 $0x210;
	v0 =	vld [tilespmem:s0+$0xFFFFFFF0]  }
0x1b: {  	v1 =	vld [tilespmem:s29+$0xFFFFFFF0];
	_ =	sdelay $0x4  }
0x1c: {  	v0 =	vmul.u32 $0x9E3779B1, v0;
	v1 =	vmul.u32 $0x9E37, v1;
	_ =	sdelay $0x1  }
0x1d: {  	v0 =	vadd.s32 v0, v1  }
0x1e: {  	v1 =	vshrl.u32 v0, $0x10  }
0x1f: {  	v0 =	vxor.u32 v0, v1  }
0x20: {  	v0 =	vmul.u32 $0x85EBCA77, v0;
	_ =	sdelay $0x1  }
0x21: {  	v1 =	vshrl.u32 v0, $0xD  }
0x22: {  	v0 =	vxor.u32 v0, v1  }
0x23: {  	v0 =	vmul.u32 $0xC2B2AE3D, v0;
	_ =	sdelay $0x1  }
0x24: {  	v1 =	vshrl.u32 v0, $0x10  }
0x25: {  	v0 =	vxor.u32 v0, v1  }
0x26: {  	v1 =	vshrl.u32 v0, $0x5  }
0x27: {  	v1 =	vmulhi.u32 $0xA7C5AC5, v1;
	_ =	sdelay $0x1  }
0x28: {  	v1 =	vshrl.u32 v1, $0x7  }
0x29: {  	v1 =	vmul.u32 $0x186A0, v1;
	_ =	sdelay $0x1  }
0x2a: {  	s30 =	simm.s32 $0x410;
	v0 =	vsub.s32 v0, v1  }
0x2b: {  	[tilespmem:s30+$0xFFFFFFF0] =	vst v0  }
0x2c: {  	v0 =	vld [tilespmem:s0+$0x0]  }
0x2d: {  	v1 =	vld [tilespmem:s29+$0x0];
	_ =	sdelay $0x4  }
0x2e: {  	v0 =	vmul.u32 $0x9E3779B1, v0;
	v1 =	vmul.u32 $0x9E37, v1;
	_ =	sdelay $0x1  }
0x2f: {  	v0 =	vadd.s32 v0, v1  }
0x30: {  	v1 =	vshrl.u32 v0, $0x10  }
0x31: {  	v0 =	vxor.u32 v0, v1  }
0x32: {  	v0 =	vmul.u32 $0x85EBCA77, v0;
	_ =	sdelay $0x1  }
0x33: {  	v1 =	vshrl.u32 v0, $0xD  }
0x34: {  	v0 =	vxor.u32 v0, v1  }
0x35: {  	v0 =	vmul.u32 $0xC2B2AE3D, v0;
	_ =	sdelay $0x1  }
0x36: {  	v1 =	vshrl.u32 v0, $0x10  }
0x37: {  	v0 =	vxor.u32 v0, v1  }
0x38: {  	v1 =	vshrl.u32 v0, $0x5  }
0x39: {  	v1 =	vmulhi.u32 $0xA7C5AC5, v1;
	_ =	sdelay $0x1  }
0x3a: {  	v1 =	vshrl.u32 v1, $0x7  }
0x3b: {  	v1 =	vmul.u32 $0x186A0, v1  }
0x3c: {  	s31 =	simm.s32 $0x0;
	s2 =	simm.s32 $0x30;
	s0 =	simm.s32 $0x410  }
.LBB2_2:
0x3d: {  	s31 =	sadd.s32 $0x2, s31;
	v0 =	vsub.s32 v0, v1;
	s30 =	sadd.s32 $0x20, s30;
	s29 =	sadd.s32 $0x20, s29  }
0x3e: {  	p0 =	slt.u32 s31, $0x6;
	[tilespmem:s0+$0x0] =	vst v0;
	s0 =	smov.u32 s30  }
0x3f: {  	v0 =	vld [tilespmem:s2+$0xFFFFFFF0]  }
0x40: {  	v1 =	vld [tilespmem:s29+$0xFFFFFFF0];
	_ =	sdelay $0x4  }
0x41: {  	v0 =	vmul.u32 $0x9E3779B1, v0;
	v1 =	vmul.u32 $0x9E37, v1;
	_ =	sdelay $0x1  }
0x42: {  	v0 =	vadd.s32 v0, v1  }
0x43: {  	v1 =	vshrl.u32 v0, $0x10  }
0x44: {  	v0 =	vxor.u32 v0, v1  }
0x45: {  	v0 =	vmul.u32 $0x85EBCA77, v0;
	_ =	sdelay $0x1  }
0x46: {  	v1 =	vshrl.u32 v0, $0xD  }
0x47: {  	v0 =	vxor.u32 v0, v1  }
0x48: {  	v0 =	vmul.u32 $0xC2B2AE3D, v0;
	_ =	sdelay $0x1  }
0x49: {  	v1 =	vshrl.u32 v0, $0x10  }
0x4a: {  	v0 =	vxor.u32 v0, v1  }
0x4b: {  	v1 =	vshrl.u32 v0, $0x5  }
0x4c: {  	v1 =	vmulhi.u32 $0xA7C5AC5, v1;
	_ =	sdelay $0x1  }
0x4d: {  	v1 =	vshrl.u32 v1, $0x7  }
0x4e: {  	v1 =	vmul.u32 $0x186A0, v1;
	_ =	sdelay $0x1  }
0x4f: {  	v0 =	vsub.s32 v0, v1  }
0x50: {  	[tilespmem:s30+$0xFFFFFFF0] =	vst v0  }
0x51: {  	v0 =	vld [tilespmem:s2+$0x0]  }
0x52: {  	v1 =	vld [tilespmem:s29+$0x0];
	_ =	sdelay $0x3  }
0x53: {  	v0 =	vmul.u32 $0x9E3779B1, v0  }
0x54: {  	v1 =	vmul.u32 $0x9E37, v1;
	_ =	sdelay $0x1  }
0x55: {  	v0 =	vadd.s32 v0, v1  }
0x56: {  	v1 =	vshrl.u32 v0, $0x10  }
0x57: {  	v0 =	vxor.u32 v0, v1  }
0x58: {  	v0 =	vmul.u32 $0x85EBCA77, v0;
	_ =	sdelay $0x1  }
0x59: {  	v1 =	vshrl.u32 v0, $0xD  }
0x5a: {  	v0 =	vxor.u32 v0, v1  }
0x5b: {  	v0 =	vmul.u32 $0xC2B2AE3D, v0;
	_ =	sdelay $0x1  }
0x5c: {  	v1 =	vshrl.u32 v0, $0x10  }
0x5d: {  	v0 =	vxor.u32 v0, v1  }
0x5e: {  	v1 =	vshrl.u32 v0, $0x5  }
.Ltmp0:
0x5f: {  	v1 =	vmulhi.u32 $0xA7C5AC5, v1;
	(pc) =	sbr.rel @p0 .LBB2_2-.Ltmp0, $4  }
0x60: {  	_ = 	snop  }
0x61: {  	v1 =	vshrl.u32 v1, $0x7  }
0x62: {  	v1 =	vmul.u32 $0x186A0, v1  }
0x63: {  	s2 =	sadd.s32 $0x20, s2  }
0x64: {  	v0 =	vsub.s32 v0, v1  }
0x65: {  	s2 =	simm.s32 $0x90;
	[tilespmem:s0+$0x0] =	vst v0  }
0x66: {  	[tilespmem:s15], [sflag:$0x2] =	stream.indirect.gather [hbm4b:s1+s13], $0x80, s14, s13, $0xb8;
	[tilespmem:$0x10600] =	vst v63  }
0x67: {  	s29 =	simm.s32 $0x290;
	v0 =	vld [tilespmem:s2+$0xFFFFFFF0]  }
0x68: {  	v1 =	vld [tilespmem:s29+$0xFFFFFFF0];
	_ =	sdelay $0x4  }
0x69: {  	v0 =	vmul.u32 $0x9E3779B1, v0;
	v1 =	vmul.u32 $0x9E37, v1;
	_ =	sdelay $0x1  }
0x6a: {  	v0 =	vadd.s32 v0, v1  }
0x6b: {  	v1 =	vshrl.u32 v0, $0x10  }
0x6c: {  	v0 =	vxor.u32 v0, v1  }
0x6d: {  	v0 =	vmul.u32 $0x85EBCA77, v0;
	_ =	sdelay $0x1  }
0x6e: {  	v1 =	vshrl.u32 v0, $0xD  }
0x6f: {  	v0 =	vxor.u32 v0, v1  }
0x70: {  	v0 =	vmul.u32 $0xC2B2AE3D, v0;
	_ =	sdelay $0x1  }
0x71: {  	v1 =	vshrl.u32 v0, $0x10  }
0x72: {  	v0 =	vxor.u32 v0, v1  }
0x73: {  	v1 =	vshrl.u32 v0, $0x5  }
0x74: {  	v1 =	vmulhi.u32 $0xA7C5AC5, v1;
	_ =	sdelay $0x1  }
0x75: {  	v1 =	vshrl.u32 v1, $0x7  }
0x76: {  	v1 =	vmul.u32 $0x186A0, v1;
	_ =	sdelay $0x1  }
0x77: {  	s30 =	simm.s32 $0x490;
	v0 =	vsub.s32 v0, v1  }
0x78: {  	[tilespmem:s30+$0xFFFFFFF0] =	vst v0  }
0x79: {  	v0 =	vld [tilespmem:s2+$0x0]  }
0x7a: {  	v1 =	vld [tilespmem:s29+$0x0];
	_ =	sdelay $0x4  }
0x7b: {  	v0 =	vmul.u32 $0x9E3779B1, v0;
	v1 =	vmul.u32 $0x9E37, v1;
	_ =	sdelay $0x1  }
0x7c: {  	v0 =	vadd.s32 v0, v1  }
0x7d: {  	v1 =	vshrl.u32 v0, $0x10  }
0x7e: {  	v0 =	vxor.u32 v0, v1  }
0x7f: {  	v0 =	vmul.u32 $0x85EBCA77, v0;
	_ =	sdelay $0x1  }
0x80: {  	v1 =	vshrl.u32 v0, $0xD  }
0x81: {  	v0 =	vxor.u32 v0, v1  }
0x82: {  	v0 =	vmul.u32 $0xC2B2AE3D, v0;
	_ =	sdelay $0x1  }
0x83: {  	v1 =	vshrl.u32 v0, $0x10  }
0x84: {  	v0 =	vxor.u32 v0, v1  }
0x85: {  	v1 =	vshrl.u32 v0, $0x5  }
0x86: {  	v1 =	vmulhi.u32 $0xA7C5AC5, v1;
	_ =	sdelay $0x1  }
0x87: {  	v1 =	vshrl.u32 v1, $0x7  }
0x88: {  	v1 =	vmul.u32 $0x186A0, v1  }
0x89: {  	s31 =	simm.s32 $0x8;
	s0 =	simm.s32 $0x490;
	s2 =	simm.s32 $0xB0  }
.LBB2_4:
0x8a: {  	s31 =	sadd.s32 $0x2, s31;
	v0 =	vsub.s32 v0, v1;
	s30 =	sadd.s32 $0x20, s30;
	s29 =	sadd.s32 $0x20, s29  }
0x8b: {  	p0 =	slt.u32 s31, $0xE;
	[tilespmem:s0+$0x0] =	vst v0;
	s0 =	smov.u32 s30  }
0x8c: {  	v0 =	vld [tilespmem:s2+$0xFFFFFFF0]  }
0x8d: {  	v1 =	vld [tilespmem:s29+$0xFFFFFFF0];
	_ =	sdelay $0x4  }
0x8e: {  	v0 =	vmul.u32 $0x9E3779B1, v0;
	v1 =	vmul.u32 $0x9E37, v1;
	_ =	sdelay $0x1  }
0x8f: {  	v0 =	vadd.s32 v0, v1  }
0x90: {  	v1 =	vshrl.u32 v0, $0x10  }
0x91: {  	v0 =	vxor.u32 v0, v1  }
0x92: {  	v0 =	vmul.u32 $0x85EBCA77, v0;
	_ =	sdelay $0x1  }
0x93: {  	v1 =	vshrl.u32 v0, $0xD  }
0x94: {  	v0 =	vxor.u32 v0, v1  }
0x95: {  	v0 =	vmul.u32 $0xC2B2AE3D, v0;
	_ =	sdelay $0x1  }
0x96: {  	v1 =	vshrl.u32 v0, $0x10  }
0x97: {  	v0 =	vxor.u32 v0, v1  }
0x98: {  	v1 =	vshrl.u32 v0, $0x5  }
0x99: {  	v1 =	vmulhi.u32 $0xA7C5AC5, v1;
	_ =	sdelay $0x1  }
0x9a: {  	v1 =	vshrl.u32 v1, $0x7  }
0x9b: {  	v1 =	vmul.u32 $0x186A0, v1;
	_ =	sdelay $0x1  }
0x9c: {  	v0 =	vsub.s32 v0, v1  }
0x9d: {  	[tilespmem:s30+$0xFFFFFFF0] =	vst v0  }
0x9e: {  	v0 =	vld [tilespmem:s2+$0x0]  }
0x9f: {  	v1 =	vld [tilespmem:s29+$0x0];
	_ =	sdelay $0x3  }
0xa0: {  	v0 =	vmul.u32 $0x9E3779B1, v0  }
0xa1: {  	v1 =	vmul.u32 $0x9E37, v1;
	_ =	sdelay $0x1  }
0xa2: {  	v0 =	vadd.s32 v0, v1  }
0xa3: {  	v1 =	vshrl.u32 v0, $0x10  }
0xa4: {  	v0 =	vxor.u32 v0, v1  }
0xa5: {  	v0 =	vmul.u32 $0x85EBCA77, v0;
	_ =	sdelay $0x1  }
0xa6: {  	v1 =	vshrl.u32 v0, $0xD  }
0xa7: {  	v0 =	vxor.u32 v0, v1  }
0xa8: {  	v0 =	vmul.u32 $0xC2B2AE3D, v0;
	_ =	sdelay $0x1  }
0xa9: {  	v1 =	vshrl.u32 v0, $0x10  }
0xaa: {  	v0 =	vxor.u32 v0, v1  }
0xab: {  	v1 =	vshrl.u32 v0, $0x5  }
.Ltmp1:
0xac: {  	v1 =	vmulhi.u32 $0xA7C5AC5, v1;
	(pc) =	sbr.rel @p0 .LBB2_4-.Ltmp1, $4  }
0xad: {  	_ = 	snop  }
0xae: {  	v1 =	vshrl.u32 v1, $0x7  }
0xaf: {  	v1 =	vmul.u32 $0x186A0, v1  }
0xb0: {  	s2 =	sadd.s32 $0x20, s2  }
0xb1: {  	v0 =	vsub.s32 v0, v1  }
0xb2: {  	s2 =	simm.s32 $0x110;
	[tilespmem:s0+$0x0] =	vst v0  }
0xb3: {  	[tilespmem:s17], [sflag:$0x3] =	stream.indirect.gather [hbm4b:s1+s13], $0x80, s16, s13, $0xb8;
	[tilespmem:$0x10600] =	vst v63  }
0xb4: {  	s29 =	simm.s32 $0x310;
	v0 =	vld [tilespmem:s2+$0xFFFFFFF0]  }
0xb5: {  	v1 =	vld [tilespmem:s29+$0xFFFFFFF0];
	_ =	sdelay $0x4  }
0xb6: {  	v0 =	vmul.u32 $0x9E3779B1, v0;
	v1 =	vmul.u32 $0x9E37, v1;
	_ =	sdelay $0x1  }
0xb7: {  	v0 =	vadd.s32 v0, v1  }
0xb8: {  	v1 =	vshrl.u32 v0, $0x10  }
0xb9: {  	v0 =	vxor.u32 v0, v1  }
0xba: {  	v0 =	vmul.u32 $0x85EBCA77, v0;
	_ =	sdelay $0x1  }
0xbb: {  	v1 =	vshrl.u32 v0, $0xD  }
0xbc: {  	v0 =	vxor.u32 v0, v1  }
0xbd: {  	v0 =	vmul.u32 $0xC2B2AE3D, v0;
	_ =	sdelay $0x1  }
0xbe: {  	v1 =	vshrl.u32 v0, $0x10  }
0xbf: {  	v0 =	vxor.u32 v0, v1  }
0xc0: {  	v1 =	vshrl.u32 v0, $0x5  }
0xc1: {  	v1 =	vmulhi.u32 $0xA7C5AC5, v1;
	_ =	sdelay $0x1  }
0xc2: {  	v1 =	vshrl.u32 v1, $0x7  }
0xc3: {  	v1 =	vmul.u32 $0x186A0, v1;
	_ =	sdelay $0x1  }
0xc4: {  	s30 =	simm.s32 $0x510;
	v0 =	vsub.s32 v0, v1  }
0xc5: {  	[tilespmem:s30+$0xFFFFFFF0] =	vst v0  }
0xc6: {  	v0 =	vld [tilespmem:s2+$0x0]  }
0xc7: {  	v1 =	vld [tilespmem:s29+$0x0];
	_ =	sdelay $0x4  }
0xc8: {  	v0 =	vmul.u32 $0x9E3779B1, v0;
	v1 =	vmul.u32 $0x9E37, v1;
	_ =	sdelay $0x1  }
0xc9: {  	v0 =	vadd.s32 v0, v1  }
0xca: {  	v1 =	vshrl.u32 v0, $0x10  }
0xcb: {  	v0 =	vxor.u32 v0, v1  }
0xcc: {  	v0 =	vmul.u32 $0x85EBCA77, v0;
	_ =	sdelay $0x1  }
0xcd: {  	v1 =	vshrl.u32 v0, $0xD  }
0xce: {  	v0 =	vxor.u32 v0, v1  }
0xcf: {  	v0 =	vmul.u32 $0xC2B2AE3D, v0;
	_ =	sdelay $0x1  }
0xd0: {  	v1 =	vshrl.u32 v0, $0x10  }
0xd1: {  	v0 =	vxor.u32 v0, v1  }
0xd2: {  	v1 =	vshrl.u32 v0, $0x5  }
0xd3: {  	v1 =	vmulhi.u32 $0xA7C5AC5, v1;
	_ =	sdelay $0x1  }
0xd4: {  	v1 =	vshrl.u32 v1, $0x7  }
0xd5: {  	v1 =	vmul.u32 $0x186A0, v1  }
0xd6: {  	s31 =	simm.s32 $0x10;
	s0 =	simm.s32 $0x510;
	s2 =	simm.s32 $0x130  }
.LBB2_6:
0xd7: {  	s31 =	sadd.s32 $0x2, s31;
	v0 =	vsub.s32 v0, v1;
	s30 =	sadd.s32 $0x20, s30;
	s29 =	sadd.s32 $0x20, s29  }
0xd8: {  	p0 =	slt.u32 s31, $0x16;
	[tilespmem:s0+$0x0] =	vst v0;
	s0 =	smov.u32 s30  }
0xd9: {  	v0 =	vld [tilespmem:s2+$0xFFFFFFF0]  }
0xda: {  	v1 =	vld [tilespmem:s29+$0xFFFFFFF0];
	_ =	sdelay $0x4  }
0xdb: {  	v0 =	vmul.u32 $0x9E3779B1, v0;
	v1 =	vmul.u32 $0x9E37, v1;
	_ =	sdelay $0x1  }
0xdc: {  	v0 =	vadd.s32 v0, v1  }
0xdd: {  	v1 =	vshrl.u32 v0, $0x10  }
0xde: {  	v0 =	vxor.u32 v0, v1  }
0xdf: {  	v0 =	vmul.u32 $0x85EBCA77, v0;
	_ =	sdelay $0x1  }
0xe0: {  	v1 =	vshrl.u32 v0, $0xD  }
0xe1: {  	v0 =	vxor.u32 v0, v1  }
0xe2: {  	v0 =	vmul.u32 $0xC2B2AE3D, v0;
	_ =	sdelay $0x1  }
0xe3: {  	v1 =	vshrl.u32 v0, $0x10  }
0xe4: {  	v0 =	vxor.u32 v0, v1  }
0xe5: {  	v1 =	vshrl.u32 v0, $0x5  }
0xe6: {  	v1 =	vmulhi.u32 $0xA7C5AC5, v1;
	_ =	sdelay $0x1  }
0xe7: {  	v1 =	vshrl.u32 v1, $0x7  }
0xe8: {  	v1 =	vmul.u32 $0x186A0, v1;
	_ =	sdelay $0x1  }
0xe9: {  	v0 =	vsub.s32 v0, v1  }
0xea: {  	[tilespmem:s30+$0xFFFFFFF0] =	vst v0  }
0xeb: {  	v0 =	vld [tilespmem:s2+$0x0]  }
0xec: {  	v1 =	vld [tilespmem:s29+$0x0];
	_ =	sdelay $0x3  }
0xed: {  	v0 =	vmul.u32 $0x9E3779B1, v0  }
0xee: {  	v1 =	vmul.u32 $0x9E37, v1;
	_ =	sdelay $0x1  }
0xef: {  	v0 =	vadd.s32 v0, v1  }
0xf0: {  	v1 =	vshrl.u32 v0, $0x10  }
0xf1: {  	v0 =	vxor.u32 v0, v1  }
0xf2: {  	v0 =	vmul.u32 $0x85EBCA77, v0;
	_ =	sdelay $0x1  }
0xf3: {  	v1 =	vshrl.u32 v0, $0xD  }
0xf4: {  	v0 =	vxor.u32 v0, v1  }
0xf5: {  	v0 =	vmul.u32 $0xC2B2AE3D, v0;
	_ =	sdelay $0x1  }
0xf6: {  	v1 =	vshrl.u32 v0, $0x10  }
0xf7: {  	v0 =	vxor.u32 v0, v1  }
0xf8: {  	v1 =	vshrl.u32 v0, $0x5  }
.Ltmp2:
0xf9: {  	v1 =	vmulhi.u32 $0xA7C5AC5, v1;
	(pc) =	sbr.rel @p0 .LBB2_6-.Ltmp2, $4  }
0xfa: {  	_ = 	snop  }
0xfb: {  	v1 =	vshrl.u32 v1, $0x7  }
0xfc: {  	v1 =	vmul.u32 $0x186A0, v1  }
0xfd: {  	s2 =	sadd.s32 $0x20, s2  }
0xfe: {  	v0 =	vsub.s32 v0, v1  }
0xff: {  	s2 =	simm.s32 $0x190;
	[tilespmem:s0+$0x0] =	vst v0  }
0x100: {  	[tilespmem:s19], [sflag:$0x4] =	stream.indirect.gather [hbm4b:s1+s13], $0x80, s18, s13, $0xb8;
	[tilespmem:$0x10600] =	vst v63  }
0x101: {  	s29 =	simm.s32 $0x390;
	v0 =	vld [tilespmem:s2+$0xFFFFFFF0]  }
0x102: {  	v1 =	vld [tilespmem:s29+$0xFFFFFFF0];
	_ =	sdelay $0x4  }
0x103: {  	v0 =	vmul.u32 $0x9E3779B1, v0;
	v1 =	vmul.u32 $0x9E37, v1;
	_ =	sdelay $0x1  }
0x104: {  	v0 =	vadd.s32 v0, v1  }
0x105: {  	v1 =	vshrl.u32 v0, $0x10  }
0x106: {  	v0 =	vxor.u32 v0, v1  }
0x107: {  	v0 =	vmul.u32 $0x85EBCA77, v0;
	_ =	sdelay $0x1  }
0x108: {  	v1 =	vshrl.u32 v0, $0xD  }
0x109: {  	v0 =	vxor.u32 v0, v1  }
0x10a: {  	v0 =	vmul.u32 $0xC2B2AE3D, v0;
	_ =	sdelay $0x1  }
0x10b: {  	v1 =	vshrl.u32 v0, $0x10  }
0x10c: {  	v0 =	vxor.u32 v0, v1  }
0x10d: {  	v1 =	vshrl.u32 v0, $0x5  }
0x10e: {  	v1 =	vmulhi.u32 $0xA7C5AC5, v1;
	_ =	sdelay $0x1  }
0x10f: {  	v1 =	vshrl.u32 v1, $0x7  }
0x110: {  	v1 =	vmul.u32 $0x186A0, v1;
	_ =	sdelay $0x1  }
0x111: {  	s30 =	simm.s32 $0x590;
	v0 =	vsub.s32 v0, v1  }
0x112: {  	[tilespmem:s30+$0xFFFFFFF0] =	vst v0  }
0x113: {  	v0 =	vld [tilespmem:s2+$0x0]  }
0x114: {  	v1 =	vld [tilespmem:s29+$0x0];
	_ =	sdelay $0x4  }
0x115: {  	v0 =	vmul.u32 $0x9E3779B1, v0;
	v1 =	vmul.u32 $0x9E37, v1;
	_ =	sdelay $0x1  }
0x116: {  	v0 =	vadd.s32 v0, v1  }
0x117: {  	v1 =	vshrl.u32 v0, $0x10  }
0x118: {  	v0 =	vxor.u32 v0, v1  }
0x119: {  	v0 =	vmul.u32 $0x85EBCA77, v0;
	_ =	sdelay $0x1  }
0x11a: {  	v1 =	vshrl.u32 v0, $0xD  }
0x11b: {  	v0 =	vxor.u32 v0, v1  }
0x11c: {  	v0 =	vmul.u32 $0xC2B2AE3D, v0;
	_ =	sdelay $0x1  }
0x11d: {  	v1 =	vshrl.u32 v0, $0x10  }
0x11e: {  	v0 =	vxor.u32 v0, v1  }
0x11f: {  	v1 =	vshrl.u32 v0, $0x5  }
0x120: {  	v1 =	vmulhi.u32 $0xA7C5AC5, v1;
	_ =	sdelay $0x1  }
0x121: {  	v1 =	vshrl.u32 v1, $0x7  }
0x122: {  	v1 =	vmul.u32 $0x186A0, v1  }
0x123: {  	s31 =	simm.s32 $0x18;
	s0 =	simm.s32 $0x590;
	s2 =	simm.s32 $0x1B0  }
.LBB2_8:
0x124: {  	s31 =	sadd.s32 $0x2, s31;
	v0 =	vsub.s32 v0, v1;
	s30 =	sadd.s32 $0x20, s30;
	s29 =	sadd.s32 $0x20, s29  }
0x125: {  	p0 =	slt.u32 s31, $0x1E;
	[tilespmem:s0+$0x0] =	vst v0;
	s0 =	smov.u32 s30  }
0x126: {  	v0 =	vld [tilespmem:s2+$0xFFFFFFF0]  }
0x127: {  	v1 =	vld [tilespmem:s29+$0xFFFFFFF0];
	_ =	sdelay $0x4  }
0x128: {  	v0 =	vmul.u32 $0x9E3779B1, v0;
	v1 =	vmul.u32 $0x9E37, v1;
	_ =	sdelay $0x1  }
0x129: {  	v0 =	vadd.s32 v0, v1  }
0x12a: {  	v1 =	vshrl.u32 v0, $0x10  }
0x12b: {  	v0 =	vxor.u32 v0, v1  }
0x12c: {  	v0 =	vmul.u32 $0x85EBCA77, v0;
	_ =	sdelay $0x1  }
0x12d: {  	v1 =	vshrl.u32 v0, $0xD  }
0x12e: {  	v0 =	vxor.u32 v0, v1  }
0x12f: {  	v0 =	vmul.u32 $0xC2B2AE3D, v0;
	_ =	sdelay $0x1  }
0x130: {  	v1 =	vshrl.u32 v0, $0x10  }
0x131: {  	v0 =	vxor.u32 v0, v1  }
0x132: {  	v1 =	vshrl.u32 v0, $0x5  }
0x133: {  	v1 =	vmulhi.u32 $0xA7C5AC5, v1;
	_ =	sdelay $0x1  }
0x134: {  	v1 =	vshrl.u32 v1, $0x7  }
0x135: {  	v1 =	vmul.u32 $0x186A0, v1;
	_ =	sdelay $0x1  }
0x136: {  	v0 =	vsub.s32 v0, v1  }
0x137: {  	[tilespmem:s30+$0xFFFFFFF0] =	vst v0  }
0x138: {  	v0 =	vld [tilespmem:s2+$0x0]  }
0x139: {  	v1 =	vld [tilespmem:s29+$0x0];
	_ =	sdelay $0x3  }
0x13a: {  	v0 =	vmul.u32 $0x9E3779B1, v0  }
0x13b: {  	v1 =	vmul.u32 $0x9E37, v1;
	_ =	sdelay $0x1  }
0x13c: {  	v0 =	vadd.s32 v0, v1  }
0x13d: {  	v1 =	vshrl.u32 v0, $0x10  }
0x13e: {  	v0 =	vxor.u32 v0, v1  }
0x13f: {  	v0 =	vmul.u32 $0x85EBCA77, v0;
	_ =	sdelay $0x1  }
0x140: {  	v1 =	vshrl.u32 v0, $0xD  }
0x141: {  	v0 =	vxor.u32 v0, v1  }
0x142: {  	v0 =	vmul.u32 $0xC2B2AE3D, v0;
	_ =	sdelay $0x1  }
0x143: {  	v1 =	vshrl.u32 v0, $0x10  }
0x144: {  	v0 =	vxor.u32 v0, v1  }
0x145: {  	v1 =	vshrl.u32 v0, $0x5  }
.Ltmp3:
0x146: {  	v1 =	vmulhi.u32 $0xA7C5AC5, v1;
	(pc) =	sbr.rel @p0 .LBB2_8-.Ltmp3, $4  }
0x147: {  	_ = 	snop  }
0x148: {  	v1 =	vshrl.u32 v1, $0x7  }
0x149: {  	v1 =	vmul.u32 $0x186A0, v1  }
0x14a: {  	s2 =	sadd.s32 $0x20, s2  }
0x14b: {  	v0 =	vsub.s32 v0, v1  }
0x14c: {  	[tilespmem:s0+$0x0] =	vst v0  }
0x14d: {  	[tilespmem:s21], [sflag:$0x5] =	stream.indirect.gather [hbm4b:s1+s13], $0x80, s20, s13, $0xb8;
	[tilespmem:$0x10600] =	vst v63  }
0x14e: {  	_ =	swait.ge [sflag:s22], $0x4000  }
0x14f: {  	[sflag:s22] =	ssyncset.done $0x0  }
0x150: {  	[sflag:s22] =	ssyncadd.s32 $0xFFFFC000  }
0x151: {  	[hbm4b:s6+s3] =	stream.linear.scatter [tilespmem:s15], [sflag:$0x6], $0x4000, $0x38;
	[tilespmem:$0x10600] =	vst v63  }
0x152: {  	_ =	swait.ge [sflag:s23], $0x4000  }
0x153: {  	[sflag:s23] =	ssyncset.done $0x0  }
0x154: {  	[sflag:s23] =	ssyncadd.s32 $0xFFFFC000  }
0x155: {  	[hbm4b:s7+s3] =	stream.linear.scatter [tilespmem:s17], [sflag:$0x6], $0x4000, $0x38;
	[tilespmem:$0x10600] =	vst v63  }
0x156: {  	_ =	swait.ge [sflag:s24], $0x4000  }
0x157: {  	[sflag:s24] =	ssyncset.done $0x0  }
0x158: {  	[sflag:s24] =	ssyncadd.s32 $0xFFFFC000  }
0x159: {  	[hbm4b:s8+s3] =	stream.linear.scatter [tilespmem:s19], [sflag:$0x6], $0x4000, $0x38;
	[tilespmem:$0x10600] =	vst v63  }
0x15a: {  	_ =	swait.ge [sflag:s25], $0x4000  }
0x15b: {  	[sflag:s25] =	ssyncset.done $0x0  }
0x15c: {  	[sflag:s25] =	ssyncadd.s32 $0xFFFFC000  }
0x15d: {  	[hbm4b:s9+s3] =	stream.linear.scatter [tilespmem:s21], [sflag:$0x6], $0x4000, $0x38;
	[tilespmem:$0x10600] =	vst v63  }
0x15e: {  	_ =	swait.ge [sflag:s26], $0x4000  }
0x15f: {  	[sflag:s26] =	ssyncset.done $0x0  }
0x160: {  	[sflag:s26] =	ssyncadd.s32 $0xFFFFC000  }
0x161: {  	_ =	swait.ge [sflag:s26], $0x4000  }
0x162: {  	[sflag:s26] =	ssyncset.done $0x0  }
0x163: {  	s28 =	sadd.s32 $0x1, s28;
	[sflag:s26] =	ssyncadd.s32 $0xFFFFC000  }
0x164: {  	p0 =	sne.s32 s28, s10;
	_ =	swait.ge [sflag:s26], $0x4000  }
.Ltmp4:
0x165: {  	[sflag:s26] =	ssyncset.done $0x0;
	(pc) =	sbr.rel @p0 .LBB2_1-.Ltmp4, $4  }
0x166: {  	[sflag:s26] =	ssyncadd.s32 $0xFFFFC000  }
0x167: {  	_ =	swait.ge [sflag:s26], $0x4000  }
0x168: {  	[sflag:s26] =	ssyncset.done $0x0  }
0x169: {  	[sflag:s26] =	ssyncadd.s32 $0xFFFFC000  }
0x16a: {  	_ =	sfence.sel $0x180000  }
0x16b: {  	[bflag:$0x0] =	sbarrier.arrive $0xFFFF  }
0x16c: {  	_ =	strace $0x90000047  }
0x16d: {  	s0 =	stileid.u32;
	[bflag:$0x2] =	sbarrier.arrive $0xFFFF  }
0x16e: {  	p0 =	sne.s32 s0, $0x0;
	s0 =	rddreg [dreg:$0x4]  }
0x16f: {  	s0 =	sadd.s32 @!p0 $0x100000, s0  }
0x170: {  	[sflag:s0] =	ssyncadd.tile.s32 @!p0 $0x1;
	_ =	shalt  }
.Lfunc_end2:
_tile_overlayer_lowered:
.L_overlay_start_2:
0x171: {  	(tag) =	ssettag $0x2  }
0x172: {  	s0 =	rddreg [dreg:$0x0];
	s2 =	stileid.u32  }
0x173: {  	s1 =	rddreg [dreg:$0x1];
	p0 =	sne.s32 s2, $0x0  }
0x174: {  	s3 =	rddreg [dreg:$0x2];
	[bflag:$0x3] =	sbarrier.arrive $0xFFFF;
	s2 =	simm.s32 @!p0 $0x1C07  }
0x175: {  	[timem:s3], [sflag:s2] =	dma.local @!p0 [hbm:s0], s1  }
0x176: {  	s0 =	simm.s32 @!p0 $0x7  }
0x177: {  	_ =	swait.ge @!p0 [sflag:s0], s1  }
0x178: {  	s1 =	ssub.s32 @!p0 $0x0, s1;
	[sflag:s0] =	ssyncset.done @!p0 $0x0  }
0x179: {  	[sflag:s0] =	ssyncadd.s32 @!p0 s1  }
0x17a: {  	[bflag:$0x3] =	sbarrier.arrive $0xFFFF  }
0x17b: {  	_ =	shalt  }

</sc_bundles>
